<compile_context>
chip_gen: v7x
topology: tpu7x:2x2x1
jax: 0.10.2.dev20260603
libtpu: 0.0.44.dev20260713+nightly
codegen_flags: <defaults>
</compile_context>

<pallas_src>
import functools

import jax
import jax.numpy as jnp
from jax import lax
from jax.experimental import pallas as pl
from jax.experimental.pallas import tpu as pltpu
from jax.experimental.pallas import tpu_sc as plsc

N_NODES = 10000
D_FEAT = 128
HIDDEN = 64
NUM_GRAPHS = 64

NC, NS, LANES = 2, 16, 16
NW = NC * NS
CH = 128
NPAD = 10112
RPT = NPAD // NS

E_TOTAL = 320000
EW = 128
S_TILE = 80


def _sc_deg_body(ones_hbm, zeros_hbm, dst_hbm, out_hbm, ones_v, idx_d, sem, deg):
    cid = lax.axis_index("c")
    sid = lax.axis_index("s")
    wid = cid * NS + sid
    r0 = sid * RPT
    pltpu.sync_copy(zeros_hbm.at[pl.ds(r0, RPT)], deg.at[pl.ds(r0, RPT)])
    pltpu.sync_copy(ones_hbm, ones_v)
    pltpu.sync_copy(dst_hbm.at[wid], idx_d)
    plsc.subcore_barrier()

    def step(s, carry):
        pltpu.sync_copy(ones_v, deg.at[idx_d.at[s]], add=True)
        return carry

    lax.fori_loop(0, S_TILE, step, 0)
    plsc.subcore_barrier()
    pltpu.sync_copy(deg.at[pl.ds(r0, RPT)], out_hbm.at[cid, pl.ds(r0, RPT)])


@functools.lru_cache(maxsize=None)
def _sc_deg():
    mesh = plsc.VectorSubcoreMesh(
        core_axis_name="c", subcore_axis_name="s", num_cores=NC, num_subcores=NS
    )
    return pl.kernel(
        _sc_deg_body,
        out_type=jax.ShapeDtypeStruct((NC, NPAD, LANES), jnp.float32),
        mesh=mesh,
        compiler_params=pltpu.CompilerParams(use_tc_tiling_on_sc=False),
        scratch_types=[
            pltpu.VMEM((EW, LANES), jnp.float32),
            pltpu.VMEM((S_TILE, EW), jnp.int32),
            pltpu.SemaphoreType.DMA,
            pltpu.VMEM_SHARED((NPAD, LANES), jnp.float32),
        ],
    )


def _sc_agg_body(y_hbm, zeros_hbm, src_hbm, dst_hbm, out_hbm,
                 idx_s, idx_d, rows, gsem, agg):
    cid = lax.axis_index("c")
    sid = lax.axis_index("s")
    wid = cid * NS + sid
    r0 = sid * RPT

    @pl.when(cid == 0)
    def _seed_y():
        pltpu.sync_copy(y_hbm.at[pl.ds(r0, RPT)], agg.at[pl.ds(r0, RPT)])

    @pl.when(cid != 0)
    def _seed_zero():
        pltpu.sync_copy(zeros_hbm.at[pl.ds(r0, RPT)], agg.at[pl.ds(r0, RPT)])

    pltpu.sync_copy(src_hbm.at[wid], idx_s)
    pltpu.sync_copy(dst_hbm.at[wid], idx_d)
    plsc.subcore_barrier()

    def step(s, carry):
        pltpu.async_copy(y_hbm.at[idx_s.at[s]], rows, gsem).wait()
        pltpu.sync_copy(rows, agg.at[idx_d.at[s]], add=True)
        return carry

    lax.fori_loop(0, S_TILE, step, 0)
    plsc.subcore_barrier()
    pltpu.sync_copy(agg.at[pl.ds(r0, RPT)], out_hbm.at[cid, pl.ds(r0, RPT)])


@functools.lru_cache(maxsize=None)
def _sc_agg():
    mesh = plsc.VectorSubcoreMesh(
        core_axis_name="c", subcore_axis_name="s", num_cores=NC, num_subcores=NS
    )
    return pl.kernel(
        _sc_agg_body,
        out_type=jax.ShapeDtypeStruct((NC, NPAD, HIDDEN), jnp.float32),
        mesh=mesh,
        compiler_params=pltpu.CompilerParams(use_tc_tiling_on_sc=False),
        scratch_types=[
            pltpu.VMEM((S_TILE, EW), jnp.int32),
            pltpu.VMEM((S_TILE, EW), jnp.int32),
            pltpu.VMEM((EW, HIDDEN), jnp.float32),
            pltpu.SemaphoreType.DMA,
            pltpu.VMEM_SHARED((NPAD, HIDDEN), jnp.float32),
        ],
    )


def _node_dinv(degp_ref):
    deg = degp_ref[0, :, 0:1] + degp_ref[1, :, 0:1] + 1.0
    return lax.rsqrt(deg)


def _tc_y1_body(x_ref, w1_ref, degp_ref, y1_ref):
    xw = jnp.dot(x_ref[...], w1_ref[...], preferred_element_type=jnp.float32)
    y1_ref[...] = xw * _node_dinv(degp_ref)


_tc_y1 = pl.pallas_call(
    _tc_y1_body,
    out_shape=jax.ShapeDtypeStruct((NPAD, HIDDEN), jnp.float32),
)


def _tc_mid_body(aggp_ref, degp_ref, b1_ref, w2_ref, y2_ref):
    dinv = _node_dinv(degp_ref)
    h = jnp.maximum((aggp_ref[0] + aggp_ref[1]) * dinv + b1_ref[...], 0.0)
    y2 = jnp.dot(h, w2_ref[...], preferred_element_type=jnp.float32) * dinv
    mask = lax.broadcasted_iota(jnp.int32, (NPAD, 1), 0) < N_NODES
    y2_ref[...] = jnp.where(mask, y2, 0.0)


_tc_mid = pl.pallas_call(
    _tc_mid_body,
    out_shape=jax.ShapeDtypeStruct((NPAD, HIDDEN), jnp.float32),
)


def _tc_head_body(aggp_ref, degp_ref, b2_ref, batch_ref,
                  wl_ref, bl_ref, wp1_ref, bp1_ref, wp2_ref, bp2_ref, out_ref):
    dinv = _node_dinv(degp_ref)
    h2 = jnp.maximum((aggp_ref[0] + aggp_ref[1]) * dinv + b2_ref[...], 0.0)
    gids = lax.broadcasted_iota(jnp.int32, (NUM_GRAPHS, NPAD), 0)
    onehot_t = (batch_ref[...] == gids).astype(jnp.float32)
    sums = jax.lax.dot_general(
        onehot_t, h2, (((1,), (0,)), ((), ())),
        precision=lax.Precision.HIGHEST, preferred_element_type=jnp.float32)
    cnts = jnp.sum(onehot_t, axis=1)
    pooled = sums / jnp.maximum(cnts, 1.0)[:, None]
    g = jnp.dot(pooled, wl_ref[...], preferred_element_type=jnp.float32) + bl_ref[...]
    g = jnp.where(g >= 0, g, 0.01 * g)
    g = jnp.dot(g, wp1_ref[...], preferred_element_type=jnp.float32) + bp1_ref[...]
    g = jnp.dot(g, wp2_ref[...], preferred_element_type=jnp.float32) + bp2_ref[...]
    out_ref[...] = g


_tc_head = pl.pallas_call(
    _tc_head_body,
    out_shape=jax.ShapeDtypeStruct((NUM_GRAPHS, 2), jnp.float32),
)


def kernel(x, edge_index, batch, W1, b1, W2, b2, Wl, bl, Wp1, bp1, Wp2, bp2):
    src = edge_index[0].astype(jnp.int32)
    dst = edge_index[1].astype(jnp.int32)
    batch = batch.astype(jnp.int32)
    e = src.shape[0]
    epad = NW * S_TILE * EW

    src_p = jnp.full((epad,), N_NODES, jnp.int32).at[:e].set(src).reshape(NW, S_TILE, EW)
    dst_p = jnp.full((epad,), N_NODES, jnp.int32).at[:e].set(dst).reshape(NW, S_TILE, EW)
    x_pad = jnp.zeros((NPAD, D_FEAT), jnp.float32).at[:N_NODES, :].set(x)
    batch_p = jnp.full((1, NPAD), NUM_GRAPHS, jnp.int32).at[0, :N_NODES].set(batch)
    zeros_h = jnp.zeros((NPAD, HIDDEN), jnp.float32)
    zeros_l = jnp.zeros((NPAD, LANES), jnp.float32)
    ones_l = jnp.ones((EW, LANES), jnp.float32)

    degp = _sc_deg()(ones_l, zeros_l, dst_p)
    y1 = _tc_y1(x_pad, W1, degp)
    agg1 = _sc_agg()(y1, zeros_h, src_p, dst_p)
    y2 = _tc_mid(agg1, degp, b1, W2)
    agg2 = _sc_agg()(y2, zeros_h, src_p, dst_p)
    return _tc_head(agg2, degp, b2, batch_p, Wl, bl, Wp1, bp1, Wp2, bp2)

# --- scband reference (transcript-rebuilt; emitter-appended) ---
"""Pipeline reference for scband-gcn-30562987278347 (READ-ONLY COPY).

The authoritative reference and input builder live on the scoring server;
editing this copy changes nothing except your own understanding.
"""

import jax, jax.numpy as jnp
import numpy as np

N_NODES = 10000
N_EDGES = 320000
D_FEAT = 128
HIDDEN = 64
NUM_GRAPHS = 64


def setup_inputs(seed: int = 0) -> dict:
    key = jax.random.key(seed)
    ks = jax.random.split(key, 12)
    x = jax.random.normal(ks[0], (N_NODES, D_FEAT), dtype=jnp.float32)
    edge_index = jax.random.randint(ks[1], (2, N_EDGES), 0, N_NODES, dtype=jnp.int64)
    batch = jnp.sort(jax.random.randint(ks[2], (N_NODES,), 0, NUM_GRAPHS, dtype=jnp.int64))
    s = 0.05
    W1 = jax.random.normal(ks[3], (D_FEAT, HIDDEN), dtype=jnp.float32) * s
    b1 = jnp.zeros((HIDDEN,), dtype=jnp.float32)
    W2 = jax.random.normal(ks[4], (HIDDEN, HIDDEN), dtype=jnp.float32) * s
    b2 = jnp.zeros((HIDDEN,), dtype=jnp.float32)
    Wl = jax.random.normal(ks[5], (HIDDEN, 64), dtype=jnp.float32) * s
    bl = jnp.zeros((64,), dtype=jnp.float32)
    Wp1 = jax.random.normal(ks[6], (64, 32), dtype=jnp.float32) * s
    bp1 = jnp.zeros((32,), dtype=jnp.float32)
    Wp2 = jax.random.normal(ks[7], (32, 2), dtype=jnp.float32) * s
    bp2 = jnp.zeros((2,), dtype=jnp.float32)
    return {"x": x, "edge_index": edge_index, "batch": batch,
            "W1": W1, "b1": b1, "W2": W2, "b2": b2,
            "Wl": Wl, "bl": bl, "Wp1": Wp1, "bp1": bp1, "Wp2": Wp2, "bp2": bp2}


def _gcn_conv(x, W, b, src, dst, num_nodes):
    # GCNConv: add self-loops, symmetric normalization, scatter-add aggregation
    loop = jnp.arange(num_nodes, dtype=src.dtype)
    src2 = jnp.concatenate([src, loop])
    dst2 = jnp.concatenate([dst, loop])
    deg = jax.ops.segment_sum(jnp.ones_like(dst2, dtype=x.dtype), dst2, num_segments=num_nodes)
    dinv = jnp.where(deg > 0, deg ** -0.5, 0.0)
    xw = x @ W
    norm = dinv[src2] * dinv[dst2]
    msg = jnp.take(xw, src2, axis=0) * norm[:, None]
    out = jax.ops.segment_sum(msg, dst2, num_segments=num_nodes)
    return out + b


def reference(x, edge_index, batch, W1, b1, W2, b2, Wl, bl, Wp1, bp1, Wp2, bp2):
    src = edge_index[0]
    dst = edge_index[1]
    h = _gcn_conv(x, W1, b1, src, dst, N_NODES)
    h = jax.nn.relu(h)
    h = _gcn_conv(h, W2, b2, src, dst, N_NODES)
    h = jax.nn.relu(h)
    # global_mean_pool
    sums = jax.ops.segment_sum(h, batch, num_segments=NUM_GRAPHS)
    cnts = jax.ops.segment_sum(jnp.ones((h.shape[0],), dtype=h.dtype), batch, num_segments=NUM_GRAPHS)
    pooled = sums / jnp.clip(cnts, 1.0)[:, None]
    # dropout is identity in eval mode
    g = pooled @ Wl + bl
    g = jnp.where(g >= 0, g, 0.01 * g)  # LeakyReLU default slope
    g = g @ Wp1 + bp1
    g = g @ Wp2 + bp2
    return g

if __name__ == "__main__":
    import jax
    _d = setup_inputs()
    print(jax.jit(kernel)(*tuple(_d.values())))

</pallas_src>

<mosaic_0001>
#map = affine_map<(d0, d1) -> (0, 0)>
#map1 = affine_map<(d0, d1) -> (0, 0, 0)>
module attributes {stable_mosaic.version = 14 : i64} {
  func.func @_sc_agg_body(%arg0: i32, %arg1: i32, %arg2: memref<10112x64xf32, #tpu.memory_space<hbm>>, %arg3: memref<10112x64xf32, #tpu.memory_space<hbm>>, %arg4: memref<32x80x128xi32, #tpu.memory_space<hbm>>, %arg5: memref<32x80x128xi32, #tpu.memory_space<hbm>>, %arg6: memref<2x10112x64xf32, #tpu.memory_space<hbm>>, %arg7: memref<80x128xi32, #tpu.memory_space<vmem>>, %arg8: memref<80x128xi32, #tpu.memory_space<vmem>>, %arg9: memref<128x64xf32, #tpu.memory_space<vmem>>, %arg10: memref<!tpu.dma_semaphore, #tpu.memory_space<semaphore_mem>>, %arg11: memref<10112x64xf32, #tpu.memory_space<vmem_shared>>) attributes {dimension_semantics = [#tpu.dimension_semantics<core_parallel>, #tpu.dimension_semantics<subcore_parallel>], iteration_bounds = array<i64: 2, 16>, scalar_prefetch = 0 : i64, scratch_operands = 5 : i64, tpu.core_type = #tpu.core_type<sc_vector_subcore>, window_params = [{transform_indices = #map}, {transform_indices = #map}, {transform_indices = #map1}, {transform_indices = #map1}, {transform_indices = #map1}]} {
    %mul3A = arith.constant 16 : i32
    %mul3A_0 = arith.muli %arg0, %mul3A : i32
    %add3A = arith.addi %mul3A_0, %arg1 : i32
    %mul3A_1 = arith.constant 632 : i32
    %mul3A_2 = arith.muli %arg1, %mul3A_1 : i32
    %eq3A = arith.constant 0 : i32
    %eq3A_3 = arith.cmpi eq, %arg0, %eq3A : i32
    %convert_element_type3A = arith.extui %eq3A_3 : i1 to i32
    %cond3A = arith.constant 0 : i32
    %cond3A_4 = arith.cmpi ne, %convert_element_type3A, %cond3A : i32
    scf.if %cond3A_4 {
      "tpu.region"() ({
        %run_scoped3A = tpu.sem_alloc : memref<!tpu.dma_semaphore, #tpu.memory_space<semaphore_mem>>
        %dma_start3A = arith.constant 0 : i32
        %dma_start3A_15 = tpu.memref_slice %arg11[%mul3A_2, %dma_start3A] : memref<10112x64xf32, #tpu.memory_space<vmem_shared>> -> memref<632x64xf32, #tpu.memory_space<vmem_shared>>
        %dma_start3A_16 = arith.constant 0 : i32
        %dma_start3A_17 = tpu.memref_slice %arg2[%mul3A_2, %dma_start3A_16] : memref<10112x64xf32, #tpu.memory_space<hbm>> -> memref<632x64xf32, #tpu.memory_space<hbm>>
        tpu.enqueue_dma source(%dma_start3A_17 : memref<632x64xf32, #tpu.memory_space<hbm>>) target(%dma_start3A_15 : memref<632x64xf32, #tpu.memory_space<vmem_shared>>) target_semaphore(%run_scoped3A : memref<!tpu.dma_semaphore, #tpu.memory_space<semaphore_mem>>)
        %dma_wait3A = arith.constant 0 : i32
        %dma_wait3A_18 = tpu.memref_slice %arg11[%mul3A_2, %dma_wait3A] : memref<10112x64xf32, #tpu.memory_space<vmem_shared>> -> memref<632x64xf32, #tpu.memory_space<vmem_shared>>
        %dma_wait3A_19 = arith.constant 0 : i32
        %dma_wait3A_20 = tpu.memref_slice %arg2[%mul3A_2, %dma_wait3A_19] : memref<10112x64xf32, #tpu.memory_space<hbm>> -> memref<632x64xf32, #tpu.memory_space<hbm>>
        tpu.wait_dma2 semaphore(%run_scoped3A : memref<!tpu.dma_semaphore, #tpu.memory_space<semaphore_mem>>) src(%dma_wait3A_20 : memref<632x64xf32, #tpu.memory_space<hbm>>) dst(%dma_wait3A_18 : memref<632x64xf32, #tpu.memory_space<vmem_shared>>)
        tpu.yield
      }) : () -> ()
    } else {
    }
    %ne3A = arith.constant 0 : i32
    %ne3A_5 = arith.cmpi ne, %arg0, %ne3A : i32
    %convert_element_type3A_6 = arith.extui %ne3A_5 : i1 to i32
    %cond3A_7 = arith.constant 0 : i32
    %cond3A_8 = arith.cmpi ne, %convert_element_type3A_6, %cond3A_7 : i32
    scf.if %cond3A_8 {
      "tpu.region"() ({
        %run_scoped3A = tpu.sem_alloc : memref<!tpu.dma_semaphore, #tpu.memory_space<semaphore_mem>>
        %dma_start3A = arith.constant 0 : i32
        %dma_start3A_15 = tpu.memref_slice %arg11[%mul3A_2, %dma_start3A] : memref<10112x64xf32, #tpu.memory_space<vmem_shared>> -> memref<632x64xf32, #tpu.memory_space<vmem_shared>>
        %dma_start3A_16 = arith.constant 0 : i32
        %dma_start3A_17 = tpu.memref_slice %arg3[%mul3A_2, %dma_start3A_16] : memref<10112x64xf32, #tpu.memory_space<hbm>> -> memref<632x64xf32, #tpu.memory_space<hbm>>
        tpu.enqueue_dma source(%dma_start3A_17 : memref<632x64xf32, #tpu.memory_space<hbm>>) target(%dma_start3A_15 : memref<632x64xf32, #tpu.memory_space<vmem_shared>>) target_semaphore(%run_scoped3A : memref<!tpu.dma_semaphore, #tpu.memory_space<semaphore_mem>>)
        %dma_wait3A = arith.constant 0 : i32
        %dma_wait3A_18 = tpu.memref_slice %arg11[%mul3A_2, %dma_wait3A] : memref<10112x64xf32, #tpu.memory_space<vmem_shared>> -> memref<632x64xf32, #tpu.memory_space<vmem_shared>>
        %dma_wait3A_19 = arith.constant 0 : i32
        %dma_wait3A_20 = tpu.memref_slice %arg3[%mul3A_2, %dma_wait3A_19] : memref<10112x64xf32, #tpu.memory_space<hbm>> -> memref<632x64xf32, #tpu.memory_space<hbm>>
        tpu.wait_dma2 semaphore(%run_scoped3A : memref<!tpu.dma_semaphore, #tpu.memory_space<semaphore_mem>>) src(%dma_wait3A_20 : memref<632x64xf32, #tpu.memory_space<hbm>>) dst(%dma_wait3A_18 : memref<632x64xf32, #tpu.memory_space<vmem_shared>>)
        tpu.yield
      }) : () -> ()
    } else {
    }
    "tpu.region"() ({
      %run_scoped3A = tpu.sem_alloc : memref<!tpu.dma_semaphore, #tpu.memory_space<semaphore_mem>>
      %dma_start3A = arith.constant 0 : i32
      %dma_start3A_15 = arith.constant 0 : i32
      %dma_start3A_16 = tpu.memref_slice %arg4[%add3A, %dma_start3A, %dma_start3A_15] : memref<32x80x128xi32, #tpu.memory_space<hbm>> -> memref<1x80x128xi32, #tpu.memory_space<hbm>>
      %dma_start3A_17 = tpu.memref_squeeze %dma_start3A_16 : memref<1x80x128xi32, #tpu.memory_space<hbm>> -> memref<80x128xi32, #tpu.memory_space<hbm>>
      %dma_start3A_18 = arith.constant 0 : i32
      %dma_start3A_19 = arith.constant 0 : i32
      %dma_start3A_20 = tpu.memref_slice %arg4[%add3A, %dma_start3A_18, %dma_start3A_19] : memref<32x80x128xi32, #tpu.memory_space<hbm>> -> memref<1x80x128xi32, #tpu.memory_space<hbm>>
      %dma_start3A_21 = tpu.memref_squeeze %dma_start3A_20 : memref<1x80x128xi32, #tpu.memory_space<hbm>> -> memref<80x128xi32, #tpu.memory_space<hbm>>
      tpu.enqueue_dma source(%dma_start3A_21 : memref<80x128xi32, #tpu.memory_space<hbm>>) target(%arg7 : memref<80x128xi32, #tpu.memory_space<vmem>>) target_semaphore(%run_scoped3A : memref<!tpu.dma_semaphore, #tpu.memory_space<semaphore_mem>>)
      %dma_wait3A = arith.constant 0 : i32
      %dma_wait3A_22 = arith.constant 0 : i32
      %dma_wait3A_23 = tpu.memref_slice %arg4[%add3A, %dma_wait3A, %dma_wait3A_22] : memref<32x80x128xi32, #tpu.memory_space<hbm>> -> memref<1x80x128xi32, #tpu.memory_space<hbm>>
      %dma_wait3A_24 = tpu.memref_squeeze %dma_wait3A_23 : memref<1x80x128xi32, #tpu.memory_space<hbm>> -> memref<80x128xi32, #tpu.memory_space<hbm>>
      %dma_wait3A_25 = arith.constant 0 : i32
      %dma_wait3A_26 = arith.constant 0 : i32
      %dma_wait3A_27 = tpu.memref_slice %arg4[%add3A, %dma_wait3A_25, %dma_wait3A_26] : memref<32x80x128xi32, #tpu.memory_space<hbm>> -> memref<1x80x128xi32, #tpu.memory_space<hbm>>
      %dma_wait3A_28 = tpu.memref_squeeze %dma_wait3A_27 : memref<1x80x128xi32, #tpu.memory_space<hbm>> -> memref<80x128xi32, #tpu.memory_space<hbm>>
      tpu.wait_dma2 semaphore(%run_scoped3A : memref<!tpu.dma_semaphore, #tpu.memory_space<semaphore_mem>>) src(%dma_wait3A_28 : memref<80x128xi32, #tpu.memory_space<hbm>>) dst(%arg7 : memref<80x128xi32, #tpu.memory_space<vmem>>)
      tpu.yield
    }) : () -> ()
    "tpu.region"() ({
      %run_scoped3A = tpu.sem_alloc : memref<!tpu.dma_semaphore, #tpu.memory_space<semaphore_mem>>
      %dma_start3A = arith.constant 0 : i32
      %dma_start3A_15 = arith.constant 0 : i32
      %dma_start3A_16 = tpu.memref_slice %arg5[%add3A, %dma_start3A, %dma_start3A_15] : memref<32x80x128xi32, #tpu.memory_space<hbm>> -> memref<1x80x128xi32, #tpu.memory_space<hbm>>
      %dma_start3A_17 = tpu.memref_squeeze %dma_start3A_16 : memref<1x80x128xi32, #tpu.memory_space<hbm>> -> memref<80x128xi32, #tpu.memory_space<hbm>>
      %dma_start3A_18 = arith.constant 0 : i32
      %dma_start3A_19 = arith.constant 0 : i32
      %dma_start3A_20 = tpu.memref_slice %arg5[%add3A, %dma_start3A_18, %dma_start3A_19] : memref<32x80x128xi32, #tpu.memory_space<hbm>> -> memref<1x80x128xi32, #tpu.memory_space<hbm>>
      %dma_start3A_21 = tpu.memref_squeeze %dma_start3A_20 : memref<1x80x128xi32, #tpu.memory_space<hbm>> -> memref<80x128xi32, #tpu.memory_space<hbm>>
      tpu.enqueue_dma source(%dma_start3A_21 : memref<80x128xi32, #tpu.memory_space<hbm>>) target(%arg8 : memref<80x128xi32, #tpu.memory_space<vmem>>) target_semaphore(%run_scoped3A : memref<!tpu.dma_semaphore, #tpu.memory_space<semaphore_mem>>)
      %dma_wait3A = arith.constant 0 : i32
      %dma_wait3A_22 = arith.constant 0 : i32
      %dma_wait3A_23 = tpu.memref_slice %arg5[%add3A, %dma_wait3A, %dma_wait3A_22] : memref<32x80x128xi32, #tpu.memory_space<hbm>> -> memref<1x80x128xi32, #tpu.memory_space<hbm>>
      %dma_wait3A_24 = tpu.memref_squeeze %dma_wait3A_23 : memref<1x80x128xi32, #tpu.memory_space<hbm>> -> memref<80x128xi32, #tpu.memory_space<hbm>>
      %dma_wait3A_25 = arith.constant 0 : i32
      %dma_wait3A_26 = arith.constant 0 : i32
      %dma_wait3A_27 = tpu.memref_slice %arg5[%add3A, %dma_wait3A_25, %dma_wait3A_26] : memref<32x80x128xi32, #tpu.memory_space<hbm>> -> memref<1x80x128xi32, #tpu.memory_space<hbm>>
      %dma_wait3A_28 = tpu.memref_squeeze %dma_wait3A_27 : memref<1x80x128xi32, #tpu.memory_space<hbm>> -> memref<80x128xi32, #tpu.memory_space<hbm>>
      tpu.wait_dma2 semaphore(%run_scoped3A : memref<!tpu.dma_semaphore, #tpu.memory_space<semaphore_mem>>) src(%dma_wait3A_28 : memref<80x128xi32, #tpu.memory_space<hbm>>) dst(%arg8 : memref<80x128xi32, #tpu.memory_space<vmem>>)
      tpu.yield
    }) : () -> ()
    %barrier3A = arith.constant 0 : index
    tpu.barrier barrier_id(%barrier3A)
    %scan3A = arith.constant 0 : i32
    %scan3A_9 = arith.constant 0 : i32
    %scan3A_10 = arith.constant 80 : i32
    %scan3A_11 = arith.addi %scan3A_9, %scan3A_10 : i32
    %scan3A_12 = arith.constant 1 : i32
    scf.for %scan3A_15 = %scan3A_9 to %scan3A_11 step %scan3A_12  : i32 {
      %dma_start3A = arith.constant 0 : i32
      %dma_start3A_16 = tpu.memref_slice %arg7[%scan3A_15, %dma_start3A] : memref<80x128xi32, #tpu.memory_space<vmem>> -> memref<1x128xi32, #tpu.memory_space<vmem>>
      %dma_start3A_17 = tpu.memref_squeeze %dma_start3A_16 : memref<1x128xi32, #tpu.memory_space<vmem>> -> memref<128xi32, #tpu.memory_space<vmem>>
      %dma_start3A_18 = arith.constant 0 : i32
      %dma_start3A_19 = arith.constant 0 : i32
      %dma_start3A_20 = tpu.memref_slice %arg2[%dma_start3A_18, %dma_start3A_19] : memref<10112x64xf32, #tpu.memory_space<hbm>> -> memref<10112x64xf32, #tpu.memory_space<hbm>>
      tpu.enqueue_indirect_dma source(%dma_start3A_20 : memref<10112x64xf32, #tpu.memory_space<hbm>>) target(%arg9 : memref<128x64xf32, #tpu.memory_space<vmem>>) offsets(%dma_start3A_17 : memref<128xi32, #tpu.memory_space<vmem>>) semaphore(%arg10 : memref<!tpu.dma_semaphore, #tpu.memory_space<semaphore_mem>>)
      %dma_wait3A = arith.constant 0 : i32
      %dma_wait3A_21 = tpu.memref_slice %arg7[%scan3A_15, %dma_wait3A] : memref<80x128xi32, #tpu.memory_space<vmem>> -> memref<1x128xi32, #tpu.memory_space<vmem>>
      %dma_wait3A_22 = tpu.memref_squeeze %dma_wait3A_21 : memref<1x128xi32, #tpu.memory_space<vmem>> -> memref<128xi32, #tpu.memory_space<vmem>>
      %dma_wait3A_23 = arith.constant 0 : i32
      %dma_wait3A_24 = arith.constant 0 : i32
      %dma_wait3A_25 = tpu.memref_slice %arg2[%dma_wait3A_23, %dma_wait3A_24] : memref<10112x64xf32, #tpu.memory_space<hbm>> -> memref<10112x64xf32, #tpu.memory_space<hbm>>
      tpu.wait_indirect_dma semaphore(%arg10 : memref<!tpu.dma_semaphore, #tpu.memory_space<semaphore_mem>>) src(%dma_wait3A_25 : memref<10112x64xf32, #tpu.memory_space<hbm>>) dst(%arg9 : memref<128x64xf32, #tpu.memory_space<vmem>>)
      "tpu.region"() ({
        %run_scoped3A = tpu.sem_alloc : memref<!tpu.dma_semaphore, #tpu.memory_space<semaphore_mem>>
        %dma_start3A_26 = arith.constant 0 : i32
        %dma_start3A_27 = tpu.memref_slice %arg8[%scan3A_15, %dma_start3A_26] : memref<80x128xi32, #tpu.memory_space<vmem>> -> memref<1x128xi32, #tpu.memory_space<vmem>>
        %dma_start3A_28 = tpu.memref_squeeze %dma_start3A_27 : memref<1x128xi32, #tpu.memory_space<vmem>> -> memref<128xi32, #tpu.memory_space<vmem>>
        %dma_start3A_29 = arith.constant 0 : i32
        %dma_start3A_30 = arith.constant 0 : i32
        %dma_start3A_31 = tpu.memref_slice %arg11[%dma_start3A_29, %dma_start3A_30] : memref<10112x64xf32, #tpu.memory_space<vmem_shared>> -> memref<10112x64xf32, #tpu.memory_space<vmem_shared>>
        tpu.enqueue_indirect_dma source(%arg9 : memref<128x64xf32, #tpu.memory_space<vmem>>) target(%dma_start3A_31 : memref<10112x64xf32, #tpu.memory_space<vmem_shared>>) offsets(%dma_start3A_28 : memref<128xi32, #tpu.memory_space<vmem>>) semaphore(%run_scoped3A : memref<!tpu.dma_semaphore, #tpu.memory_space<semaphore_mem>>) {add = true}
        %dma_wait3A_32 = arith.constant 0 : i32
        %dma_wait3A_33 = tpu.memref_slice %arg8[%scan3A_15, %dma_wait3A_32] : memref<80x128xi32, #tpu.memory_space<vmem>> -> memref<1x128xi32, #tpu.memory_space<vmem>>
        %dma_wait3A_34 = tpu.memref_squeeze %dma_wait3A_33 : memref<1x128xi32, #tpu.memory_space<vmem>> -> memref<128xi32, #tpu.memory_space<vmem>>
        %dma_wait3A_35 = arith.constant 0 : i32
        %dma_wait3A_36 = arith.constant 0 : i32
        %dma_wait3A_37 = tpu.memref_slice %arg11[%dma_wait3A_35, %dma_wait3A_36] : memref<10112x64xf32, #tpu.memory_space<vmem_shared>> -> memref<10112x64xf32, #tpu.memory_space<vmem_shared>>
        tpu.wait_indirect_dma semaphore(%run_scoped3A : memref<!tpu.dma_semaphore, #tpu.memory_space<semaphore_mem>>) src(%arg9 : memref<128x64xf32, #tpu.memory_space<vmem>>) dst(%dma_wait3A_37 : memref<10112x64xf32, #tpu.memory_space<vmem_shared>>)
        tpu.yield
      }) : () -> ()
    }
    %scan3A_13 = arith.constant 80 : i32
    %barrier3A_14 = arith.constant 0 : index
    tpu.barrier barrier_id(%barrier3A_14)
    "tpu.region"() ({
      %run_scoped3A = tpu.sem_alloc : memref<!tpu.dma_semaphore, #tpu.memory_space<semaphore_mem>>
      %dma_start3A = arith.constant 0 : i32
      %dma_start3A_15 = tpu.memref_slice %arg6[%arg0, %mul3A_2, %dma_start3A] : memref<2x10112x64xf32, #tpu.memory_space<hbm>> -> memref<1x632x64xf32, #tpu.memory_space<hbm>>
      %dma_start3A_16 = tpu.memref_squeeze %dma_start3A_15 : memref<1x632x64xf32, #tpu.memory_space<hbm>> -> memref<632x64xf32, #tpu.memory_space<hbm>>
      %dma_start3A_17 = arith.constant 0 : i32
      %dma_start3A_18 = tpu.memref_slice %arg11[%mul3A_2, %dma_start3A_17] : memref<10112x64xf32, #tpu.memory_space<vmem_shared>> -> memref<632x64xf32, #tpu.memory_space<vmem_shared>>
      tpu.enqueue_dma source(%dma_start3A_18 : memref<632x64xf32, #tpu.memory_space<vmem_shared>>) target(%dma_start3A_16 : memref<632x64xf32, #tpu.memory_space<hbm>>) target_semaphore(%run_scoped3A : memref<!tpu.dma_semaphore, #tpu.memory_space<semaphore_mem>>)
      %dma_wait3A = arith.constant 0 : i32
      %dma_wait3A_19 = tpu.memref_slice %arg6[%arg0, %mul3A_2, %dma_wait3A] : memref<2x10112x64xf32, #tpu.memory_space<hbm>> -> memref<1x632x64xf32, #tpu.memory_space<hbm>>
      %dma_wait3A_20 = tpu.memref_squeeze %dma_wait3A_19 : memref<1x632x64xf32, #tpu.memory_space<hbm>> -> memref<632x64xf32, #tpu.memory_space<hbm>>
      %dma_wait3A_21 = arith.constant 0 : i32
      %dma_wait3A_22 = tpu.memref_slice %arg11[%mul3A_2, %dma_wait3A_21] : memref<10112x64xf32, #tpu.memory_space<vmem_shared>> -> memref<632x64xf32, #tpu.memory_space<vmem_shared>>
      tpu.wait_dma2 semaphore(%run_scoped3A : memref<!tpu.dma_semaphore, #tpu.memory_space<semaphore_mem>>) src(%dma_wait3A_22 : memref<632x64xf32, #tpu.memory_space<vmem_shared>>) dst(%dma_wait3A_20 : memref<632x64xf32, #tpu.memory_space<hbm>>)
      tpu.yield
    }) : () -> ()
    return
  }
}

#map = affine_map<(d0, d1) -> (0, 0)>
#map1 = affine_map<(d0, d1) -> (0, 0, 0)>
module attributes {stable_mosaic.version = 14 : i64} {
  func.func @_sc_deg_body(%arg0: i32, %arg1: i32, %arg2: memref<128x16xf32, #tpu.memory_space<hbm>>, %arg3: memref<10112x16xf32, #tpu.memory_space<hbm>>, %arg4: memref<32x80x128xi32, #tpu.memory_space<hbm>>, %arg5: memref<2x10112x16xf32, #tpu.memory_space<hbm>>, %arg6: memref<128x16xf32, #tpu.memory_space<vmem>>, %arg7: memref<80x128xi32, #tpu.memory_space<vmem>>, %arg8: memref<!tpu.dma_semaphore, #tpu.memory_space<semaphore_mem>>, %arg9: memref<10112x16xf32, #tpu.memory_space<vmem_shared>>) attributes {dimension_semantics = [#tpu.dimension_semantics<core_parallel>, #tpu.dimension_semantics<subcore_parallel>], iteration_bounds = array<i64: 2, 16>, scalar_prefetch = 0 : i64, scratch_operands = 4 : i64, tpu.core_type = #tpu.core_type<sc_vector_subcore>, window_params = [{transform_indices = #map}, {transform_indices = #map}, {transform_indices = #map1}, {transform_indices = #map1}]} {
    %mul3A = arith.constant 16 : i32
    %mul3A_0 = arith.muli %arg0, %mul3A : i32
    %add3A = arith.addi %mul3A_0, %arg1 : i32
    %mul3A_1 = arith.constant 632 : i32
    %mul3A_2 = arith.muli %arg1, %mul3A_1 : i32
    "tpu.region"() ({
      %run_scoped3A = tpu.sem_alloc : memref<!tpu.dma_semaphore, #tpu.memory_space<semaphore_mem>>
      %dma_start3A = arith.constant 0 : i32
      %dma_start3A_9 = tpu.memref_slice %arg9[%mul3A_2, %dma_start3A] : memref<10112x16xf32, #tpu.memory_space<vmem_shared>> -> memref<632x16xf32, #tpu.memory_space<vmem_shared>>
      %dma_start3A_10 = arith.constant 0 : i32
      %dma_start3A_11 = tpu.memref_slice %arg3[%mul3A_2, %dma_start3A_10] : memref<10112x16xf32, #tpu.memory_space<hbm>> -> memref<632x16xf32, #tpu.memory_space<hbm>>
      tpu.enqueue_dma source(%dma_start3A_11 : memref<632x16xf32, #tpu.memory_space<hbm>>) target(%dma_start3A_9 : memref<632x16xf32, #tpu.memory_space<vmem_shared>>) target_semaphore(%run_scoped3A : memref<!tpu.dma_semaphore, #tpu.memory_space<semaphore_mem>>)
      %dma_wait3A = arith.constant 0 : i32
      %dma_wait3A_12 = tpu.memref_slice %arg9[%mul3A_2, %dma_wait3A] : memref<10112x16xf32, #tpu.memory_space<vmem_shared>> -> memref<632x16xf32, #tpu.memory_space<vmem_shared>>
      %dma_wait3A_13 = arith.constant 0 : i32
      %dma_wait3A_14 = tpu.memref_slice %arg3[%mul3A_2, %dma_wait3A_13] : memref<10112x16xf32, #tpu.memory_space<hbm>> -> memref<632x16xf32, #tpu.memory_space<hbm>>
      tpu.wait_dma2 semaphore(%run_scoped3A : memref<!tpu.dma_semaphore, #tpu.memory_space<semaphore_mem>>) src(%dma_wait3A_14 : memref<632x16xf32, #tpu.memory_space<hbm>>) dst(%dma_wait3A_12 : memref<632x16xf32, #tpu.memory_space<vmem_shared>>)
      tpu.yield
    }) : () -> ()
    "tpu.region"() ({
      %run_scoped3A = tpu.sem_alloc : memref<!tpu.dma_semaphore, #tpu.memory_space<semaphore_mem>>
      tpu.enqueue_dma source(%arg2 : memref<128x16xf32, #tpu.memory_space<hbm>>) target(%arg6 : memref<128x16xf32, #tpu.memory_space<vmem>>) target_semaphore(%run_scoped3A : memref<!tpu.dma_semaphore, #tpu.memory_space<semaphore_mem>>)
      tpu.wait_dma2 semaphore(%run_scoped3A : memref<!tpu.dma_semaphore, #tpu.memory_space<semaphore_mem>>) src(%arg2 : memref<128x16xf32, #tpu.memory_space<hbm>>) dst(%arg6 : memref<128x16xf32, #tpu.memory_space<vmem>>)
      tpu.yield
    }) : () -> ()
    "tpu.region"() ({
      %run_scoped3A = tpu.sem_alloc : memref<!tpu.dma_semaphore, #tpu.memory_space<semaphore_mem>>
      %dma_start3A = arith.constant 0 : i32
      %dma_start3A_9 = arith.constant 0 : i32
      %dma_start3A_10 = tpu.memref_slice %arg4[%add3A, %dma_start3A, %dma_start3A_9] : memref<32x80x128xi32, #tpu.memory_space<hbm>> -> memref<1x80x128xi32, #tpu.memory_space<hbm>>
      %dma_start3A_11 = tpu.memref_squeeze %dma_start3A_10 : memref<1x80x128xi32, #tpu.memory_space<hbm>> -> memref<80x128xi32, #tpu.memory_space<hbm>>
      %dma_start3A_12 = arith.constant 0 : i32
      %dma_start3A_13 = arith.constant 0 : i32
      %dma_start3A_14 = tpu.memref_slice %arg4[%add3A, %dma_start3A_12, %dma_start3A_13] : memref<32x80x128xi32, #tpu.memory_space<hbm>> -> memref<1x80x128xi32, #tpu.memory_space<hbm>>
      %dma_start3A_15 = tpu.memref_squeeze %dma_start3A_14 : memref<1x80x128xi32, #tpu.memory_space<hbm>> -> memref<80x128xi32, #tpu.memory_space<hbm>>
      tpu.enqueue_dma source(%dma_start3A_15 : memref<80x128xi32, #tpu.memory_space<hbm>>) target(%arg7 : memref<80x128xi32, #tpu.memory_space<vmem>>) target_semaphore(%run_scoped3A : memref<!tpu.dma_semaphore, #tpu.memory_space<semaphore_mem>>)
      %dma_wait3A = arith.constant 0 : i32
      %dma_wait3A_16 = arith.constant 0 : i32
      %dma_wait3A_17 = tpu.memref_slice %arg4[%add3A, %dma_wait3A, %dma_wait3A_16] : memref<32x80x128xi32, #tpu.memory_space<hbm>> -> memref<1x80x128xi32, #tpu.memory_space<hbm>>
      %dma_wait3A_18 = tpu.memref_squeeze %dma_wait3A_17 : memref<1x80x128xi32, #tpu.memory_space<hbm>> -> memref<80x128xi32, #tpu.memory_space<hbm>>
      %dma_wait3A_19 = arith.constant 0 : i32
      %dma_wait3A_20 = arith.constant 0 : i32
      %dma_wait3A_21 = tpu.memref_slice %arg4[%add3A, %dma_wait3A_19, %dma_wait3A_20] : memref<32x80x128xi32, #tpu.memory_space<hbm>> -> memref<1x80x128xi32, #tpu.memory_space<hbm>>
      %dma_wait3A_22 = tpu.memref_squeeze %dma_wait3A_21 : memref<1x80x128xi32, #tpu.memory_space<hbm>> -> memref<80x128xi32, #tpu.memory_space<hbm>>
      tpu.wait_dma2 semaphore(%run_scoped3A : memref<!tpu.dma_semaphore, #tpu.memory_space<semaphore_mem>>) src(%dma_wait3A_22 : memref<80x128xi32, #tpu.memory_space<hbm>>) dst(%arg7 : memref<80x128xi32, #tpu.memory_space<vmem>>)
      tpu.yield
    }) : () -> ()
    %barrier3A = arith.constant 0 : index
    tpu.barrier barrier_id(%barrier3A)
    %scan3A = arith.constant 0 : i32
    %scan3A_3 = arith.constant 0 : i32
    %scan3A_4 = arith.constant 80 : i32
    %scan3A_5 = arith.addi %scan3A_3, %scan3A_4 : i32
    %scan3A_6 = arith.constant 1 : i32
    scf.for %scan3A_9 = %scan3A_3 to %scan3A_5 step %scan3A_6  : i32 {
      "tpu.region"() ({
        %run_scoped3A = tpu.sem_alloc : memref<!tpu.dma_semaphore, #tpu.memory_space<semaphore_mem>>
        %dma_start3A = arith.constant 0 : i32
        %dma_start3A_10 = tpu.memref_slice %arg7[%scan3A_9, %dma_start3A] : memref<80x128xi32, #tpu.memory_space<vmem>> -> memref<1x128xi32, #tpu.memory_space<vmem>>
        %dma_start3A_11 = tpu.memref_squeeze %dma_start3A_10 : memref<1x128xi32, #tpu.memory_space<vmem>> -> memref<128xi32, #tpu.memory_space<vmem>>
        %dma_start3A_12 = arith.constant 0 : i32
        %dma_start3A_13 = arith.constant 0 : i32
        %dma_start3A_14 = tpu.memref_slice %arg9[%dma_start3A_12, %dma_start3A_13] : memref<10112x16xf32, #tpu.memory_space<vmem_shared>> -> memref<10112x16xf32, #tpu.memory_space<vmem_shared>>
        tpu.enqueue_indirect_dma source(%arg6 : memref<128x16xf32, #tpu.memory_space<vmem>>) target(%dma_start3A_14 : memref<10112x16xf32, #tpu.memory_space<vmem_shared>>) offsets(%dma_start3A_11 : memref<128xi32, #tpu.memory_space<vmem>>) semaphore(%run_scoped3A : memref<!tpu.dma_semaphore, #tpu.memory_space<semaphore_mem>>) {add = true}
        %dma_wait3A = arith.constant 0 : i32
        %dma_wait3A_15 = tpu.memref_slice %arg7[%scan3A_9, %dma_wait3A] : memref<80x128xi32, #tpu.memory_space<vmem>> -> memref<1x128xi32, #tpu.memory_space<vmem>>
        %dma_wait3A_16 = tpu.memref_squeeze %dma_wait3A_15 : memref<1x128xi32, #tpu.memory_space<vmem>> -> memref<128xi32, #tpu.memory_space<vmem>>
        %dma_wait3A_17 = arith.constant 0 : i32
        %dma_wait3A_18 = arith.constant 0 : i32
        %dma_wait3A_19 = tpu.memref_slice %arg9[%dma_wait3A_17, %dma_wait3A_18] : memref<10112x16xf32, #tpu.memory_space<vmem_shared>> -> memref<10112x16xf32, #tpu.memory_space<vmem_shared>>
        tpu.wait_indirect_dma semaphore(%run_scoped3A : memref<!tpu.dma_semaphore, #tpu.memory_space<semaphore_mem>>) src(%arg6 : memref<128x16xf32, #tpu.memory_space<vmem>>) dst(%dma_wait3A_19 : memref<10112x16xf32, #tpu.memory_space<vmem_shared>>)
        tpu.yield
      }) : () -> ()
    }
    %scan3A_7 = arith.constant 80 : i32
    %barrier3A_8 = arith.constant 0 : index
    tpu.barrier barrier_id(%barrier3A_8)
    "tpu.region"() ({
      %run_scoped3A = tpu.sem_alloc : memref<!tpu.dma_semaphore, #tpu.memory_space<semaphore_mem>>
      %dma_start3A = arith.constant 0 : i32
      %dma_start3A_9 = tpu.memref_slice %arg5[%arg0, %mul3A_2, %dma_start3A] : memref<2x10112x16xf32, #tpu.memory_space<hbm>> -> memref<1x632x16xf32, #tpu.memory_space<hbm>>
      %dma_start3A_10 = tpu.memref_squeeze %dma_start3A_9 : memref<1x632x16xf32, #tpu.memory_space<hbm>> -> memref<632x16xf32, #tpu.memory_space<hbm>>
      %dma_start3A_11 = arith.constant 0 : i32
      %dma_start3A_12 = tpu.memref_slice %arg9[%mul3A_2, %dma_start3A_11] : memref<10112x16xf32, #tpu.memory_space<vmem_shared>> -> memref<632x16xf32, #tpu.memory_space<vmem_shared>>
      tpu.enqueue_dma source(%dma_start3A_12 : memref<632x16xf32, #tpu.memory_space<vmem_shared>>) target(%dma_start3A_10 : memref<632x16xf32, #tpu.memory_space<hbm>>) target_semaphore(%run_scoped3A : memref<!tpu.dma_semaphore, #tpu.memory_space<semaphore_mem>>)
      %dma_wait3A = arith.constant 0 : i32
      %dma_wait3A_13 = tpu.memref_slice %arg5[%arg0, %mul3A_2, %dma_wait3A] : memref<2x10112x16xf32, #tpu.memory_space<hbm>> -> memref<1x632x16xf32, #tpu.memory_space<hbm>>
      %dma_wait3A_14 = tpu.memref_squeeze %dma_wait3A_13 : memref<1x632x16xf32, #tpu.memory_space<hbm>> -> memref<632x16xf32, #tpu.memory_space<hbm>>
      %dma_wait3A_15 = arith.constant 0 : i32
      %dma_wait3A_16 = tpu.memref_slice %arg9[%mul3A_2, %dma_wait3A_15] : memref<10112x16xf32, #tpu.memory_space<vmem_shared>> -> memref<632x16xf32, #tpu.memory_space<vmem_shared>>
      tpu.wait_dma2 semaphore(%run_scoped3A : memref<!tpu.dma_semaphore, #tpu.memory_space<semaphore_mem>>) src(%dma_wait3A_16 : memref<632x16xf32, #tpu.memory_space<vmem_shared>>) dst(%dma_wait3A_14 : memref<632x16xf32, #tpu.memory_space<hbm>>)
      tpu.yield
    }) : () -> ()
    return
  }
}

#map = affine_map<(d0, d1) -> (0, 0)>
#map1 = affine_map<(d0, d1) -> (0, 0, 0)>
module attributes {stable_mosaic.version = 14 : i64} {
  func.func @_sc_agg_body(%arg0: i32, %arg1: i32, %arg2: memref<10112x64xf32, #tpu.memory_space<hbm>>, %arg3: memref<10112x64xf32, #tpu.memory_space<hbm>>, %arg4: memref<32x80x128xi32, #tpu.memory_space<hbm>>, %arg5: memref<32x80x128xi32, #tpu.memory_space<hbm>>, %arg6: memref<2x10112x64xf32, #tpu.memory_space<hbm>>, %arg7: memref<80x128xi32, #tpu.memory_space<vmem>>, %arg8: memref<80x128xi32, #tpu.memory_space<vmem>>, %arg9: memref<128x64xf32, #tpu.memory_space<vmem>>, %arg10: memref<!tpu.dma_semaphore, #tpu.memory_space<semaphore_mem>>, %arg11: memref<10112x64xf32, #tpu.memory_space<vmem_shared>>) attributes {dimension_semantics = [#tpu.dimension_semantics<core_parallel>, #tpu.dimension_semantics<subcore_parallel>], iteration_bounds = array<i64: 2, 16>, scalar_prefetch = 0 : i64, scratch_operands = 5 : i64, tpu.core_type = #tpu.core_type<sc_vector_subcore>, window_params = [{transform_indices = #map}, {transform_indices = #map}, {transform_indices = #map1}, {transform_indices = #map1}, {transform_indices = #map1}]} {
    %mul3A = arith.constant 16 : i32
    %mul3A_0 = arith.muli %arg0, %mul3A : i32
    %add3A = arith.addi %mul3A_0, %arg1 : i32
    %mul3A_1 = arith.constant 632 : i32
    %mul3A_2 = arith.muli %arg1, %mul3A_1 : i32
    %eq3A = arith.constant 0 : i32
    %eq3A_3 = arith.cmpi eq, %arg0, %eq3A : i32
    %convert_element_type3A = arith.extui %eq3A_3 : i1 to i32
    %cond3A = arith.constant 0 : i32
    %cond3A_4 = arith.cmpi ne, %convert_element_type3A, %cond3A : i32
    scf.if %cond3A_4 {
      "tpu.region"() ({
        %run_scoped3A = tpu.sem_alloc : memref<!tpu.dma_semaphore, #tpu.memory_space<semaphore_mem>>
        %dma_start3A = arith.constant 0 : i32
        %dma_start3A_15 = tpu.memref_slice %arg11[%mul3A_2, %dma_start3A] : memref<10112x64xf32, #tpu.memory_space<vmem_shared>> -> memref<632x64xf32, #tpu.memory_space<vmem_shared>>
        %dma_start3A_16 = arith.constant 0 : i32
        %dma_start3A_17 = tpu.memref_slice %arg2[%mul3A_2, %dma_start3A_16] : memref<10112x64xf32, #tpu.memory_space<hbm>> -> memref<632x64xf32, #tpu.memory_space<hbm>>
        tpu.enqueue_dma source(%dma_start3A_17 : memref<632x64xf32, #tpu.memory_space<hbm>>) target(%dma_start3A_15 : memref<632x64xf32, #tpu.memory_space<vmem_shared>>) target_semaphore(%run_scoped3A : memref<!tpu.dma_semaphore, #tpu.memory_space<semaphore_mem>>)
        %dma_wait3A = arith.constant 0 : i32
        %dma_wait3A_18 = tpu.memref_slice %arg11[%mul3A_2, %dma_wait3A] : memref<10112x64xf32, #tpu.memory_space<vmem_shared>> -> memref<632x64xf32, #tpu.memory_space<vmem_shared>>
        %dma_wait3A_19 = arith.constant 0 : i32
        %dma_wait3A_20 = tpu.memref_slice %arg2[%mul3A_2, %dma_wait3A_19] : memref<10112x64xf32, #tpu.memory_space<hbm>> -> memref<632x64xf32, #tpu.memory_space<hbm>>
        tpu.wait_dma2 semaphore(%run_scoped3A : memref<!tpu.dma_semaphore, #tpu.memory_space<semaphore_mem>>) src(%dma_wait3A_20 : memref<632x64xf32, #tpu.memory_space<hbm>>) dst(%dma_wait3A_18 : memref<632x64xf32, #tpu.memory_space<vmem_shared>>)
        tpu.yield
      }) : () -> ()
    } else {
    }
    %ne3A = arith.constant 0 : i32
    %ne3A_5 = arith.cmpi ne, %arg0, %ne3A : i32
    %convert_element_type3A_6 = arith.extui %ne3A_5 : i1 to i32
    %cond3A_7 = arith.constant 0 : i32
    %cond3A_8 = arith.cmpi ne, %convert_element_type3A_6, %cond3A_7 : i32
    scf.if %cond3A_8 {
      "tpu.region"() ({
        %run_scoped3A = tpu.sem_alloc : memref<!tpu.dma_semaphore, #tpu.memory_space<semaphore_mem>>
        %dma_start3A = arith.constant 0 : i32
        %dma_start3A_15 = tpu.memref_slice %arg11[%mul3A_2, %dma_start3A] : memref<10112x64xf32, #tpu.memory_space<vmem_shared>> -> memref<632x64xf32, #tpu.memory_space<vmem_shared>>
        %dma_start3A_16 = arith.constant 0 : i32
        %dma_start3A_17 = tpu.memref_slice %arg3[%mul3A_2, %dma_start3A_16] : memref<10112x64xf32, #tpu.memory_space<hbm>> -> memref<632x64xf32, #tpu.memory_space<hbm>>
        tpu.enqueue_dma source(%dma_start3A_17 : memref<632x64xf32, #tpu.memory_space<hbm>>) target(%dma_start3A_15 : memref<632x64xf32, #tpu.memory_space<vmem_shared>>) target_semaphore(%run_scoped3A : memref<!tpu.dma_semaphore, #tpu.memory_space<semaphore_mem>>)
        %dma_wait3A = arith.constant 0 : i32
        %dma_wait3A_18 = tpu.memref_slice %arg11[%mul3A_2, %dma_wait3A] : memref<10112x64xf32, #tpu.memory_space<vmem_shared>> -> memref<632x64xf32, #tpu.memory_space<vmem_shared>>
        %dma_wait3A_19 = arith.constant 0 : i32
        %dma_wait3A_20 = tpu.memref_slice %arg3[%mul3A_2, %dma_wait3A_19] : memref<10112x64xf32, #tpu.memory_space<hbm>> -> memref<632x64xf32, #tpu.memory_space<hbm>>
        tpu.wait_dma2 semaphore(%run_scoped3A : memref<!tpu.dma_semaphore, #tpu.memory_space<semaphore_mem>>) src(%dma_wait3A_20 : memref<632x64xf32, #tpu.memory_space<hbm>>) dst(%dma_wait3A_18 : memref<632x64xf32, #tpu.memory_space<vmem_shared>>)
        tpu.yield
      }) : () -> ()
    } else {
    }
    "tpu.region"() ({
      %run_scoped3A = tpu.sem_alloc : memref<!tpu.dma_semaphore, #tpu.memory_space<semaphore_mem>>
      %dma_start3A = arith.constant 0 : i32
      %dma_start3A_15 = arith.constant 0 : i32
      %dma_start3A_16 = tpu.memref_slice %arg4[%add3A, %dma_start3A, %dma_start3A_15] : memref<32x80x128xi32, #tpu.memory_space<hbm>> -> memref<1x80x128xi32, #tpu.memory_space<hbm>>
      %dma_start3A_17 = tpu.memref_squeeze %dma_start3A_16 : memref<1x80x128xi32, #tpu.memory_space<hbm>> -> memref<80x128xi32, #tpu.memory_space<hbm>>
      %dma_start3A_18 = arith.constant 0 : i32
      %dma_start3A_19 = arith.constant 0 : i32
      %dma_start3A_20 = tpu.memref_slice %arg4[%add3A, %dma_start3A_18, %dma_start3A_19] : memref<32x80x128xi32, #tpu.memory_space<hbm>> -> memref<1x80x128xi32, #tpu.memory_space<hbm>>
      %dma_start3A_21 = tpu.memref_squeeze %dma_start3A_20 : memref<1x80x128xi32, #tpu.memory_space<hbm>> -> memref<80x128xi32, #tpu.memory_space<hbm>>
      tpu.enqueue_dma source(%dma_start3A_21 : memref<80x128xi32, #tpu.memory_space<hbm>>) target(%arg7 : memref<80x128xi32, #tpu.memory_space<vmem>>) target_semaphore(%run_scoped3A : memref<!tpu.dma_semaphore, #tpu.memory_space<semaphore_mem>>)
      %dma_wait3A = arith.constant 0 : i32
      %dma_wait3A_22 = arith.constant 0 : i32
      %dma_wait3A_23 = tpu.memref_slice %arg4[%add3A, %dma_wait3A, %dma_wait3A_22] : memref<32x80x128xi32, #tpu.memory_space<hbm>> -> memref<1x80x128xi32, #tpu.memory_space<hbm>>
      %dma_wait3A_24 = tpu.memref_squeeze %dma_wait3A_23 : memref<1x80x128xi32, #tpu.memory_space<hbm>> -> memref<80x128xi32, #tpu.memory_space<hbm>>
      %dma_wait3A_25 = arith.constant 0 : i32
      %dma_wait3A_26 = arith.constant 0 : i32
      %dma_wait3A_27 = tpu.memref_slice %arg4[%add3A, %dma_wait3A_25, %dma_wait3A_26] : memref<32x80x128xi32, #tpu.memory_space<hbm>> -> memref<1x80x128xi32, #tpu.memory_space<hbm>>
      %dma_wait3A_28 = tpu.memref_squeeze %dma_wait3A_27 : memref<1x80x128xi32, #tpu.memory_space<hbm>> -> memref<80x128xi32, #tpu.memory_space<hbm>>
      tpu.wait_dma2 semaphore(%run_scoped3A : memref<!tpu.dma_semaphore, #tpu.memory_space<semaphore_mem>>) src(%dma_wait3A_28 : memref<80x128xi32, #tpu.memory_space<hbm>>) dst(%arg7 : memref<80x128xi32, #tpu.memory_space<vmem>>)
      tpu.yield
    }) : () -> ()
    "tpu.region"() ({
      %run_scoped3A = tpu.sem_alloc : memref<!tpu.dma_semaphore, #tpu.memory_space<semaphore_mem>>
      %dma_start3A = arith.constant 0 : i32
      %dma_start3A_15 = arith.constant 0 : i32
      %dma_start3A_16 = tpu.memref_slice %arg5[%add3A, %dma_start3A, %dma_start3A_15] : memref<32x80x128xi32, #tpu.memory_space<hbm>> -> memref<1x80x128xi32, #tpu.memory_space<hbm>>
      %dma_start3A_17 = tpu.memref_squeeze %dma_start3A_16 : memref<1x80x128xi32, #tpu.memory_space<hbm>> -> memref<80x128xi32, #tpu.memory_space<hbm>>
      %dma_start3A_18 = arith.constant 0 : i32
      %dma_start3A_19 = arith.constant 0 : i32
      %dma_start3A_20 = tpu.memref_slice %arg5[%add3A, %dma_start3A_18, %dma_start3A_19] : memref<32x80x128xi32, #tpu.memory_space<hbm>> -> memref<1x80x128xi32, #tpu.memory_space<hbm>>
      %dma_start3A_21 = tpu.memref_squeeze %dma_start3A_20 : memref<1x80x128xi32, #tpu.memory_space<hbm>> -> memref<80x128xi32, #tpu.memory_space<hbm>>
      tpu.enqueue_dma source(%dma_start3A_21 : memref<80x128xi32, #tpu.memory_space<hbm>>) target(%arg8 : memref<80x128xi32, #tpu.memory_space<vmem>>) target_semaphore(%run_scoped3A : memref<!tpu.dma_semaphore, #tpu.memory_space<semaphore_mem>>)
      %dma_wait3A = arith.constant 0 : i32
      %dma_wait3A_22 = arith.constant 0 : i32
      %dma_wait3A_23 = tpu.memref_slice %arg5[%add3A, %dma_wait3A, %dma_wait3A_22] : memref<32x80x128xi32, #tpu.memory_space<hbm>> -> memref<1x80x128xi32, #tpu.memory_space<hbm>>
      %dma_wait3A_24 = tpu.memref_squeeze %dma_wait3A_23 : memref<1x80x128xi32, #tpu.memory_space<hbm>> -> memref<80x128xi32, #tpu.memory_space<hbm>>
      %dma_wait3A_25 = arith.constant 0 : i32
      %dma_wait3A_26 = arith.constant 0 : i32
      %dma_wait3A_27 = tpu.memref_slice %arg5[%add3A, %dma_wait3A_25, %dma_wait3A_26] : memref<32x80x128xi32, #tpu.memory_space<hbm>> -> memref<1x80x128xi32, #tpu.memory_space<hbm>>
      %dma_wait3A_28 = tpu.memref_squeeze %dma_wait3A_27 : memref<1x80x128xi32, #tpu.memory_space<hbm>> -> memref<80x128xi32, #tpu.memory_space<hbm>>
      tpu.wait_dma2 semaphore(%run_scoped3A : memref<!tpu.dma_semaphore, #tpu.memory_space<semaphore_mem>>) src(%dma_wait3A_28 : memref<80x128xi32, #tpu.memory_space<hbm>>) dst(%arg8 : memref<80x128xi32, #tpu.memory_space<vmem>>)
      tpu.yield
    }) : () -> ()
    %barrier3A = arith.constant 0 : index
    tpu.barrier barrier_id(%barrier3A)
    %scan3A = arith.constant 0 : i32
    %scan3A_9 = arith.constant 0 : i32
    %scan3A_10 = arith.constant 80 : i32
    %scan3A_11 = arith.addi %scan3A_9, %scan3A_10 : i32
    %scan3A_12 = arith.constant 1 : i32
    scf.for %scan3A_15 = %scan3A_9 to %scan3A_11 step %scan3A_12  : i32 {
      %dma_start3A = arith.constant 0 : i32
      %dma_start3A_16 = tpu.memref_slice %arg7[%scan3A_15, %dma_start3A] : memref<80x128xi32, #tpu.memory_space<vmem>> -> memref<1x128xi32, #tpu.memory_space<vmem>>
      %dma_start3A_17 = tpu.memref_squeeze %dma_start3A_16 : memref<1x128xi32, #tpu.memory_space<vmem>> -> memref<128xi32, #tpu.memory_space<vmem>>
      %dma_start3A_18 = arith.constant 0 : i32
      %dma_start3A_19 = arith.constant 0 : i32
      %dma_start3A_20 = tpu.memref_slice %arg2[%dma_start3A_18, %dma_start3A_19] : memref<10112x64xf32, #tpu.memory_space<hbm>> -> memref<10112x64xf32, #tpu.memory_space<hbm>>
      tpu.enqueue_indirect_dma source(%dma_start3A_20 : memref<10112x64xf32, #tpu.memory_space<hbm>>) target(%arg9 : memref<128x64xf32, #tpu.memory_space<vmem>>) offsets(%dma_start3A_17 : memref<128xi32, #tpu.memory_space<vmem>>) semaphore(%arg10 : memref<!tpu.dma_semaphore, #tpu.memory_space<semaphore_mem>>)
      %dma_wait3A = arith.constant 0 : i32
      %dma_wait3A_21 = tpu.memref_slice %arg7[%scan3A_15, %dma_wait3A] : memref<80x128xi32, #tpu.memory_space<vmem>> -> memref<1x128xi32, #tpu.memory_space<vmem>>
      %dma_wait3A_22 = tpu.memref_squeeze %dma_wait3A_21 : memref<1x128xi32, #tpu.memory_space<vmem>> -> memref<128xi32, #tpu.memory_space<vmem>>
      %dma_wait3A_23 = arith.constant 0 : i32
      %dma_wait3A_24 = arith.constant 0 : i32
      %dma_wait3A_25 = tpu.memref_slice %arg2[%dma_wait3A_23, %dma_wait3A_24] : memref<10112x64xf32, #tpu.memory_space<hbm>> -> memref<10112x64xf32, #tpu.memory_space<hbm>>
      tpu.wait_indirect_dma semaphore(%arg10 : memref<!tpu.dma_semaphore, #tpu.memory_space<semaphore_mem>>) src(%dma_wait3A_25 : memref<10112x64xf32, #tpu.memory_space<hbm>>) dst(%arg9 : memref<128x64xf32, #tpu.memory_space<vmem>>)
      "tpu.region"() ({
        %run_scoped3A = tpu.sem_alloc : memref<!tpu.dma_semaphore, #tpu.memory_space<semaphore_mem>>
        %dma_start3A_26 = arith.constant 0 : i32
        %dma_start3A_27 = tpu.memref_slice %arg8[%scan3A_15, %dma_start3A_26] : memref<80x128xi32, #tpu.memory_space<vmem>> -> memref<1x128xi32, #tpu.memory_space<vmem>>
        %dma_start3A_28 = tpu.memref_squeeze %dma_start3A_27 : memref<1x128xi32, #tpu.memory_space<vmem>> -> memref<128xi32, #tpu.memory_space<vmem>>
        %dma_start3A_29 = arith.constant 0 : i32
        %dma_start3A_30 = arith.constant 0 : i32
        %dma_start3A_31 = tpu.memref_slice %arg11[%dma_start3A_29, %dma_start3A_30] : memref<10112x64xf32, #tpu.memory_space<vmem_shared>> -> memref<10112x64xf32, #tpu.memory_space<vmem_shared>>
        tpu.enqueue_indirect_dma source(%arg9 : memref<128x64xf32, #tpu.memory_space<vmem>>) target(%dma_start3A_31 : memref<10112x64xf32, #tpu.memory_space<vmem_shared>>) offsets(%dma_start3A_28 : memref<128xi32, #tpu.memory_space<vmem>>) semaphore(%run_scoped3A : memref<!tpu.dma_semaphore, #tpu.memory_space<semaphore_mem>>) {add = true}
        %dma_wait3A_32 = arith.constant 0 : i32
        %dma_wait3A_33 = tpu.memref_slice %arg8[%scan3A_15, %dma_wait3A_32] : memref<80x128xi32, #tpu.memory_space<vmem>> -> memref<1x128xi32, #tpu.memory_space<vmem>>
        %dma_wait3A_34 = tpu.memref_squeeze %dma_wait3A_33 : memref<1x128xi32, #tpu.memory_space<vmem>> -> memref<128xi32, #tpu.memory_space<vmem>>
        %dma_wait3A_35 = arith.constant 0 : i32
        %dma_wait3A_36 = arith.constant 0 : i32
        %dma_wait3A_37 = tpu.memref_slice %arg11[%dma_wait3A_35, %dma_wait3A_36] : memref<10112x64xf32, #tpu.memory_space<vmem_shared>> -> memref<10112x64xf32, #tpu.memory_space<vmem_shared>>
        tpu.wait_indirect_dma semaphore(%run_scoped3A : memref<!tpu.dma_semaphore, #tpu.memory_space<semaphore_mem>>) src(%arg9 : memref<128x64xf32, #tpu.memory_space<vmem>>) dst(%dma_wait3A_37 : memref<10112x64xf32, #tpu.memory_space<vmem_shared>>)
        tpu.yield
      }) : () -> ()
    }
    %scan3A_13 = arith.constant 80 : i32
    %barrier3A_14 = arith.constant 0 : index
    tpu.barrier barrier_id(%barrier3A_14)
    "tpu.region"() ({
      %run_scoped3A = tpu.sem_alloc : memref<!tpu.dma_semaphore, #tpu.memory_space<semaphore_mem>>
      %dma_start3A = arith.constant 0 : i32
      %dma_start3A_15 = tpu.memref_slice %arg6[%arg0, %mul3A_2, %dma_start3A] : memref<2x10112x64xf32, #tpu.memory_space<hbm>> -> memref<1x632x64xf32, #tpu.memory_space<hbm>>
      %dma_start3A_16 = tpu.memref_squeeze %dma_start3A_15 : memref<1x632x64xf32, #tpu.memory_space<hbm>> -> memref<632x64xf32, #tpu.memory_space<hbm>>
      %dma_start3A_17 = arith.constant 0 : i32
      %dma_start3A_18 = tpu.memref_slice %arg11[%mul3A_2, %dma_start3A_17] : memref<10112x64xf32, #tpu.memory_space<vmem_shared>> -> memref<632x64xf32, #tpu.memory_space<vmem_shared>>
      tpu.enqueue_dma source(%dma_start3A_18 : memref<632x64xf32, #tpu.memory_space<vmem_shared>>) target(%dma_start3A_16 : memref<632x64xf32, #tpu.memory_space<hbm>>) target_semaphore(%run_scoped3A : memref<!tpu.dma_semaphore, #tpu.memory_space<semaphore_mem>>)
      %dma_wait3A = arith.constant 0 : i32
      %dma_wait3A_19 = tpu.memref_slice %arg6[%arg0, %mul3A_2, %dma_wait3A] : memref<2x10112x64xf32, #tpu.memory_space<hbm>> -> memref<1x632x64xf32, #tpu.memory_space<hbm>>
      %dma_wait3A_20 = tpu.memref_squeeze %dma_wait3A_19 : memref<1x632x64xf32, #tpu.memory_space<hbm>> -> memref<632x64xf32, #tpu.memory_space<hbm>>
      %dma_wait3A_21 = arith.constant 0 : i32
      %dma_wait3A_22 = tpu.memref_slice %arg11[%mul3A_2, %dma_wait3A_21] : memref<10112x64xf32, #tpu.memory_space<vmem_shared>> -> memref<632x64xf32, #tpu.memory_space<vmem_shared>>
      tpu.wait_dma2 semaphore(%run_scoped3A : memref<!tpu.dma_semaphore, #tpu.memory_space<semaphore_mem>>) src(%dma_wait3A_22 : memref<632x64xf32, #tpu.memory_space<vmem_shared>>) dst(%dma_wait3A_20 : memref<632x64xf32, #tpu.memory_space<hbm>>)
      tpu.yield
    }) : () -> ()
    return
  }
}

module attributes {stable_mosaic.version = 14 : i64} {
  func.func @_tc_y1_body(%arg0: memref<10112x128xf32, #tpu.memory_space<vmem>>, %arg1: memref<128x64xf32, #tpu.memory_space<vmem>>, %arg2: memref<2x10112x16xf32, #tpu.memory_space<vmem>>, %arg3: memref<10112x64xf32, #tpu.memory_space<vmem>>) attributes {dimension_semantics = [], scalar_prefetch = 0 : i64, scratch_operands = 0 : i64, tpu.core_type = #tpu.core_type<tc>} {
    %get3A = arith.constant 0 : index
    %get3A_0 = arith.constant 0 : index
    %get3A_1 = vector.load %arg0[%get3A, %get3A_0] : memref<10112x128xf32, #tpu.memory_space<vmem>>, vector<10112x128xf32>
    %get3A_2 = arith.constant 0 : index
    %get3A_3 = arith.constant 0 : index
    %get3A_4 = vector.load %arg1[%get3A_2, %get3A_3] : memref<128x64xf32, #tpu.memory_space<vmem>>, vector<128x64xf32>
    %dot_general3A = arith.constant dense<0.000000e+00> : vector<10112x64xf32>
    %dot_general3A_5 = tpu.matmul %get3A_1, %get3A_4, %dot_general3A {dimension_numbers = #tpu.dot_dimension_numbers<[1], [0], [0], [1], [0, 0, 1, 1], [], []>, transpose_lhs_hint = false} : vector<10112x128xf32>, vector<128x64xf32>, vector<10112x64xf32> -> vector<10112x64xf32>
    %get3A_6 = arith.constant 0 : index
    %get3A_7 = arith.constant 0 : index
    %get3A_8 = arith.constant 0 : index
    %get3A_9 = vector.load %arg2[%get3A_6, %get3A_7, %get3A_8] : memref<2x10112x16xf32, #tpu.memory_space<vmem>>, vector<1x10112x1xf32>
    %get3A_10 = vector.shape_cast %get3A_9 : vector<1x10112x1xf32> to vector<10112x1xf32>
    %get3A_11 = arith.constant 1 : index
    %get3A_12 = arith.constant 0 : index
    %get3A_13 = arith.constant 0 : index
    %get3A_14 = vector.load %arg2[%get3A_11, %get3A_12, %get3A_13] : memref<2x10112x16xf32, #tpu.memory_space<vmem>>, vector<1x10112x1xf32>
    %get3A_15 = vector.shape_cast %get3A_14 : vector<1x10112x1xf32> to vector<10112x1xf32>
    %add3A = arith.addf %get3A_10, %get3A_15 : vector<10112x1xf32>
    %add3A_16 = arith.constant 1.000000e+00 : f32
    %add3A_17 = vector.broadcast %add3A_16 : f32 to vector<10112x1xf32>
    %add3A_18 = arith.addf %add3A, %add3A_17 : vector<10112x1xf32>
    %rsqrt3A = math.rsqrt %add3A_18 : vector<10112x1xf32>
    %mul3A = vector.broadcast %rsqrt3A : vector<10112x1xf32> to vector<10112x64xf32>
    %mul3A_19 = arith.mulf %dot_general3A_5, %mul3A : vector<10112x64xf32>
    %swap3A = arith.constant 0 : index
    %swap3A_20 = arith.constant 0 : index
    %swap3A_21 = vector.load %arg3[%swap3A, %swap3A_20] : memref<10112x64xf32, #tpu.memory_space<vmem>>, vector<10112x64xf32>
    tpu.vector_store %arg3[%swap3A, %swap3A_20], %mul3A_19 {strides = array<i32>} : memref<10112x64xf32, #tpu.memory_space<vmem>>, vector<10112x64xf32>,
    return
  }
}

module attributes {stable_mosaic.version = 14 : i64} {
  func.func @_tc_mid_body(%arg0: memref<2x10112x64xf32, #tpu.memory_space<vmem>>, %arg1: memref<2x10112x16xf32, #tpu.memory_space<vmem>>, %arg2: memref<64xf32, #tpu.memory_space<vmem>>, %arg3: memref<64x64xf32, #tpu.memory_space<vmem>>, %arg4: memref<10112x64xf32, #tpu.memory_space<vmem>>) attributes {dimension_semantics = [], scalar_prefetch = 0 : i64, scratch_operands = 0 : i64, tpu.core_type = #tpu.core_type<tc>} {
    %get3A = arith.constant 0 : index
    %get3A_0 = arith.constant 0 : index
    %get3A_1 = arith.constant 0 : index
    %get3A_2 = vector.load %arg1[%get3A, %get3A_0, %get3A_1] : memref<2x10112x16xf32, #tpu.memory_space<vmem>>, vector<1x10112x1xf32>
    %get3A_3 = vector.shape_cast %get3A_2 : vector<1x10112x1xf32> to vector<10112x1xf32>
    %get3A_4 = arith.constant 1 : index
    %get3A_5 = arith.constant 0 : index
    %get3A_6 = arith.constant 0 : index
    %get3A_7 = vector.load %arg1[%get3A_4, %get3A_5, %get3A_6] : memref<2x10112x16xf32, #tpu.memory_space<vmem>>, vector<1x10112x1xf32>
    %get3A_8 = vector.shape_cast %get3A_7 : vector<1x10112x1xf32> to vector<10112x1xf32>
    %add3A = arith.addf %get3A_3, %get3A_8 : vector<10112x1xf32>
    %add3A_9 = arith.constant 1.000000e+00 : f32
    %add3A_10 = vector.broadcast %add3A_9 : f32 to vector<10112x1xf32>
    %add3A_11 = arith.addf %add3A, %add3A_10 : vector<10112x1xf32>
    %rsqrt3A = math.rsqrt %add3A_11 : vector<10112x1xf32>
    %get3A_12 = arith.constant 0 : index
    %get3A_13 = arith.constant 0 : index
    %get3A_14 = arith.constant 0 : index
    %get3A_15 = vector.load %arg0[%get3A_12, %get3A_13, %get3A_14] : memref<2x10112x64xf32, #tpu.memory_space<vmem>>, vector<1x10112x64xf32>
    %get3A_16 = vector.shape_cast %get3A_15 : vector<1x10112x64xf32> to vector<10112x64xf32>
    %get3A_17 = arith.constant 1 : index
    %get3A_18 = arith.constant 0 : index
    %get3A_19 = arith.constant 0 : index
    %get3A_20 = vector.load %arg0[%get3A_17, %get3A_18, %get3A_19] : memref<2x10112x64xf32, #tpu.memory_space<vmem>>, vector<1x10112x64xf32>
    %get3A_21 = vector.shape_cast %get3A_20 : vector<1x10112x64xf32> to vector<10112x64xf32>
    %add3A_22 = arith.addf %get3A_16, %get3A_21 : vector<10112x64xf32>
    %mul3A = vector.broadcast %rsqrt3A : vector<10112x1xf32> to vector<10112x64xf32>
    %mul3A_23 = arith.mulf %add3A_22, %mul3A : vector<10112x64xf32>
    %get3A_24 = arith.constant 0 : index
    %get3A_25 = vector.load %arg2[%get3A_24] : memref<64xf32, #tpu.memory_space<vmem>>, vector<64xf32>
    %broadcast_in_dim3A = vector.shape_cast %get3A_25 : vector<64xf32> to vector<1x64xf32>
    %add3A_26 = vector.broadcast %broadcast_in_dim3A : vector<1x64xf32> to vector<10112x64xf32>
    %add3A_27 = arith.addf %mul3A_23, %add3A_26 : vector<10112x64xf32>
    %max3A = arith.constant 0.000000e+00 : f32
    %max3A_28 = vector.broadcast %max3A : f32 to vector<10112x64xf32>
    %max3A_29 = arith.maximumf %add3A_27, %max3A_28 : vector<10112x64xf32>
    %get3A_30 = arith.constant 0 : index
    %get3A_31 = arith.constant 0 : index
    %get3A_32 = vector.load %arg3[%get3A_30, %get3A_31] : memref<64x64xf32, #tpu.memory_space<vmem>>, vector<64x64xf32>
    %dot_general3A = arith.constant dense<0.000000e+00> : vector<10112x64xf32>
    %dot_general3A_33 = tpu.matmul %max3A_29, %get3A_32, %dot_general3A {dimension_numbers = #tpu.dot_dimension_numbers<[1], [0], [0], [1], [0, 0, 1, 1], [], []>, transpose_lhs_hint = false} : vector<10112x64xf32>, vector<64x64xf32>, vector<10112x64xf32> -> vector<10112x64xf32>
    %mul3A_34 = vector.broadcast %rsqrt3A : vector<10112x1xf32> to vector<10112x64xf32>
    %mul3A_35 = arith.mulf %dot_general3A_33, %mul3A_34 : vector<10112x64xf32>
    %iota3A = tpu.iota {dimensions = array<i32: 0>} : vector<10112x1xi32>
    %lt3A = arith.constant 10000 : i32
    %lt3A_36 = vector.broadcast %lt3A : i32 to vector<10112x1xi32>
    %lt3A_37 = arith.cmpi slt, %iota3A, %lt3A_36 : vector<10112x1xi32>
    %jit3A = arith.constant 0.000000e+00 : f32
    %broadcast_in_dim3A_38 = vector.shape_cast %lt3A_37 : vector<10112x1xi1> to vector<10112x1xi1>
    %broadcast_in_dim3A_39 = vector.broadcast %broadcast_in_dim3A_38 : vector<10112x1xi1> to vector<10112x64xi1>
    %broadcast_in_dim3A_40 = vector.broadcast %jit3A : f32 to vector<10112x64xf32>
    %select_n3A = arith.select %broadcast_in_dim3A_39, %mul3A_35, %broadcast_in_dim3A_40 : vector<10112x64xi1>, vector<10112x64xf32>
    %swap3A = arith.constant 0 : index
    %swap3A_41 = arith.constant 0 : index
    %swap3A_42 = vector.load %arg4[%swap3A, %swap3A_41] : memref<10112x64xf32, #tpu.memory_space<vmem>>, vector<10112x64xf32>
    tpu.vector_store %arg4[%swap3A, %swap3A_41], %select_n3A {strides = array<i32>} : memref<10112x64xf32, #tpu.memory_space<vmem>>, vector<10112x64xf32>,
    return
  }
}

module attributes {stable_mosaic.version = 14 : i64} {
  func.func @_tc_head_body(%arg0: memref<2x10112x64xf32, #tpu.memory_space<vmem>>, %arg1: memref<2x10112x16xf32, #tpu.memory_space<vmem>>, %arg2: memref<64xf32, #tpu.memory_space<vmem>>, %arg3: memref<1x10112xi32, #tpu.memory_space<vmem>>, %arg4: memref<64x64xf32, #tpu.memory_space<vmem>>, %arg5: memref<64xf32, #tpu.memory_space<vmem>>, %arg6: memref<64x32xf32, #tpu.memory_space<vmem>>, %arg7: memref<32xf32, #tpu.memory_space<vmem>>, %arg8: memref<32x2xf32, #tpu.memory_space<vmem>>, %arg9: memref<2xf32, #tpu.memory_space<vmem>>, %arg10: memref<64x2xf32, #tpu.memory_space<vmem>>) attributes {dimension_semantics = [], scalar_prefetch = 0 : i64, scratch_operands = 0 : i64, tpu.core_type = #tpu.core_type<tc>} {
    %get3A = arith.constant 0 : index
    %get3A_0 = arith.constant 0 : index
    %get3A_1 = arith.constant 0 : index
    %get3A_2 = vector.load %arg1[%get3A, %get3A_0, %get3A_1] : memref<2x10112x16xf32, #tpu.memory_space<vmem>>, vector<1x10112x1xf32>
    %get3A_3 = vector.shape_cast %get3A_2 : vector<1x10112x1xf32> to vector<10112x1xf32>
    %get3A_4 = arith.constant 1 : index
    %get3A_5 = arith.constant 0 : index
    %get3A_6 = arith.constant 0 : index
    %get3A_7 = vector.load %arg1[%get3A_4, %get3A_5, %get3A_6] : memref<2x10112x16xf32, #tpu.memory_space<vmem>>, vector<1x10112x1xf32>
    %get3A_8 = vector.shape_cast %get3A_7 : vector<1x10112x1xf32> to vector<10112x1xf32>
    %add3A = arith.addf %get3A_3, %get3A_8 : vector<10112x1xf32>
    %add3A_9 = arith.constant 1.000000e+00 : f32
    %add3A_10 = vector.broadcast %add3A_9 : f32 to vector<10112x1xf32>
    %add3A_11 = arith.addf %add3A, %add3A_10 : vector<10112x1xf32>
    %rsqrt3A = math.rsqrt %add3A_11 : vector<10112x1xf32>
    %get3A_12 = arith.constant 0 : index
    %get3A_13 = arith.constant 0 : index
    %get3A_14 = arith.constant 0 : index
    %get3A_15 = vector.load %arg0[%get3A_12, %get3A_13, %get3A_14] : memref<2x10112x64xf32, #tpu.memory_space<vmem>>, vector<1x10112x64xf32>
    %get3A_16 = vector.shape_cast %get3A_15 : vector<1x10112x64xf32> to vector<10112x64xf32>
    %get3A_17 = arith.constant 1 : index
    %get3A_18 = arith.constant 0 : index
    %get3A_19 = arith.constant 0 : index
    %get3A_20 = vector.load %arg0[%get3A_17, %get3A_18, %get3A_19] : memref<2x10112x64xf32, #tpu.memory_space<vmem>>, vector<1x10112x64xf32>
    %get3A_21 = vector.shape_cast %get3A_20 : vector<1x10112x64xf32> to vector<10112x64xf32>
    %add3A_22 = arith.addf %get3A_16, %get3A_21 : vector<10112x64xf32>
    %mul3A = vector.broadcast %rsqrt3A : vector<10112x1xf32> to vector<10112x64xf32>
    %mul3A_23 = arith.mulf %add3A_22, %mul3A : vector<10112x64xf32>
    %get3A_24 = arith.constant 0 : index
    %get3A_25 = vector.load %arg2[%get3A_24] : memref<64xf32, #tpu.memory_space<vmem>>, vector<64xf32>
    %broadcast_in_dim3A = vector.shape_cast %get3A_25 : vector<64xf32> to vector<1x64xf32>
    %add3A_26 = vector.broadcast %broadcast_in_dim3A : vector<1x64xf32> to vector<10112x64xf32>
    %add3A_27 = arith.addf %mul3A_23, %add3A_26 : vector<10112x64xf32>
    %max3A = arith.constant 0.000000e+00 : f32
    %max3A_28 = vector.broadcast %max3A : f32 to vector<10112x64xf32>
    %max3A_29 = arith.maximumf %add3A_27, %max3A_28 : vector<10112x64xf32>
    %iota3A = tpu.iota {dimensions = array<i32: 0>} : vector<64x10112xi32>
    %get3A_30 = arith.constant 0 : index
    %get3A_31 = arith.constant 0 : index
    %get3A_32 = vector.load %arg3[%get3A_30, %get3A_31] : memref<1x10112xi32, #tpu.memory_space<vmem>>, vector<1x10112xi32>
    %eq3A = vector.broadcast %get3A_32 : vector<1x10112xi32> to vector<64x10112xi32>
    %eq3A_33 = arith.cmpi eq, %eq3A, %iota3A : vector<64x10112xi32>
    %convert_element_type3A = arith.extui %eq3A_33 : vector<64x10112xi1> to vector<64x10112xi32>
    %convert_element_type3A_34 = arith.sitofp %convert_element_type3A : vector<64x10112xi32> to vector<64x10112xf32>
    %dot_general3A = arith.constant dense<0.000000e+00> : vector<64x64xf32>
    %dot_general3A_35 = tpu.matmul %convert_element_type3A_34, %max3A_29, %dot_general3A {dimension_numbers = #tpu.dot_dimension_numbers<[1], [0], [0], [1], [0, 0, 1, 1], [], []>, precision = #tpu.contract_precision<fp32>, transpose_lhs_hint = false} : vector<64x10112xf32>, vector<10112x64xf32>, vector<64x64xf32> -> vector<64x64xf32>
    %reduce_sum3A = arith.constant dense<0.000000e+00> : vector<64xf32>
    %reduce_sum3A_36 = vector.multi_reduction <add>, %convert_element_type3A_34, %reduce_sum3A [1] : vector<64x10112xf32> to vector<64xf32>
    %max3A_37 = arith.constant 1.000000e+00 : f32
    %max3A_38 = vector.broadcast %max3A_37 : f32 to vector<64xf32>
    %max3A_39 = arith.maximumf %reduce_sum3A_36, %max3A_38 : vector<64xf32>
    %broadcast_in_dim3A_40 = vector.shape_cast %max3A_39 : vector<64xf32> to vector<64x1xf32>
    %div3A = vector.broadcast %broadcast_in_dim3A_40 : vector<64x1xf32> to vector<64x64xf32>
    %div3A_41 = arith.divf %dot_general3A_35, %div3A : vector<64x64xf32>
    %get3A_42 = arith.constant 0 : index
    %get3A_43 = arith.constant 0 : index
    %get3A_44 = vector.load %arg4[%get3A_42, %get3A_43] : memref<64x64xf32, #tpu.memory_space<vmem>>, vector<64x64xf32>
    %dot_general3A_45 = arith.constant dense<0.000000e+00> : vector<64x64xf32>
    %dot_general3A_46 = tpu.matmul %div3A_41, %get3A_44, %dot_general3A_45 {dimension_numbers = #tpu.dot_dimension_numbers<[1], [0], [0], [1], [0, 0, 1, 1], [], []>, transpose_lhs_hint = false} : vector<64x64xf32>, vector<64x64xf32>, vector<64x64xf32> -> vector<64x64xf32>
    %get3A_47 = arith.constant 0 : index
    %get3A_48 = vector.load %arg5[%get3A_47] : memref<64xf32, #tpu.memory_space<vmem>>, vector<64xf32>
    %broadcast_in_dim3A_49 = vector.shape_cast %get3A_48 : vector<64xf32> to vector<1x64xf32>
    %add3A_50 = vector.broadcast %broadcast_in_dim3A_49 : vector<1x64xf32> to vector<64x64xf32>
    %add3A_51 = arith.addf %dot_general3A_46, %add3A_50 : vector<64x64xf32>
    %ge3A = arith.constant 0.000000e+00 : f32
    %ge3A_52 = vector.broadcast %ge3A : f32 to vector<64x64xf32>
    %ge3A_53 = arith.cmpf oge, %add3A_51, %ge3A_52 : vector<64x64xf32>
    %mul3A_54 = arith.constant 0.00999999977 : f32
    %mul3A_55 = vector.broadcast %mul3A_54 : f32 to vector<64x64xf32>
    %mul3A_56 = arith.mulf %mul3A_55, %add3A_51 : vector<64x64xf32>
    %select_n3A = arith.select %ge3A_53, %add3A_51, %mul3A_56 : vector<64x64xi1>, vector<64x64xf32>
    %get3A_57 = arith.constant 0 : index
    %get3A_58 = arith.constant 0 : index
    %get3A_59 = vector.load %arg6[%get3A_57, %get3A_58] : memref<64x32xf32, #tpu.memory_space<vmem>>, vector<64x32xf32>
    %dot_general3A_60 = arith.constant dense<0.000000e+00> : vector<64x32xf32>
    %dot_general3A_61 = tpu.matmul %select_n3A, %get3A_59, %dot_general3A_60 {dimension_numbers = #tpu.dot_dimension_numbers<[1], [0], [0], [1], [0, 0, 1, 1], [], []>, transpose_lhs_hint = false} : vector<64x64xf32>, vector<64x32xf32>, vector<64x32xf32> -> vector<64x32xf32>
    %get3A_62 = arith.constant 0 : index
    %get3A_63 = vector.load %arg7[%get3A_62] : memref<32xf32, #tpu.memory_space<vmem>>, vector<32xf32>
    %broadcast_in_dim3A_64 = vector.shape_cast %get3A_63 : vector<32xf32> to vector<1x32xf32>
    %add3A_65 = vector.broadcast %broadcast_in_dim3A_64 : vector<1x32xf32> to vector<64x32xf32>
    %add3A_66 = arith.addf %dot_general3A_61, %add3A_65 : vector<64x32xf32>
    %get3A_67 = arith.constant 0 : index
    %get3A_68 = arith.constant 0 : index
    %get3A_69 = vector.load %arg8[%get3A_67, %get3A_68] : memref<32x2xf32, #tpu.memory_space<vmem>>, vector<32x2xf32>
    %dot_general3A_70 = arith.constant dense<0.000000e+00> : vector<64x2xf32>
    %dot_general3A_71 = tpu.matmul %add3A_66, %get3A_69, %dot_general3A_70 {dimension_numbers = #tpu.dot_dimension_numbers<[1], [0], [0], [1], [0, 0, 1, 1], [], []>, transpose_lhs_hint = false} : vector<64x32xf32>, vector<32x2xf32>, vector<64x2xf32> -> vector<64x2xf32>
    %get3A_72 = arith.constant 0 : index
    %get3A_73 = vector.load %arg9[%get3A_72] : memref<2xf32, #tpu.memory_space<vmem>>, vector<2xf32>
    %broadcast_in_dim3A_74 = vector.shape_cast %get3A_73 : vector<2xf32> to vector<1x2xf32>
    %add3A_75 = vector.broadcast %broadcast_in_dim3A_74 : vector<1x2xf32> to vector<64x2xf32>
    %add3A_76 = arith.addf %dot_general3A_71, %add3A_75 : vector<64x2xf32>
    %swap3A = arith.constant 0 : index
    %swap3A_77 = arith.constant 0 : index
    %swap3A_78 = vector.load %arg10[%swap3A, %swap3A_77] : memref<64x2xf32, #tpu.memory_space<vmem>>, vector<64x2xf32>
    tpu.vector_store %arg10[%swap3A, %swap3A_77], %add3A_76 {strides = array<i32>} : memref<64x2xf32, #tpu.memory_space<vmem>>, vector<64x2xf32>,
    return
  }
}

</mosaic_0001>

<sc_bundles>
// kernel: kernel.11.cloned.1.call-start
scs
__scs_entry_jumppad:
0x0: {  	(pc) =	sbr.rel $0x88, $3  }
0x1: {  	(tag) =	ssettag $0x0;
	lr =	simm.s32 $0x1  }
0x2: {  	[smem:$0x3F94] =	sst lr;
	_ =	strace $0xD0000000  }
0x3: {  	_ = 	snop  }
0x4: {  	_ = 	snop  }
0x5: {  	_ = 	snop  }
0x6: {  	_ = 	snop  }
0x7: {  	_ = 	snop  }
__scs_overlays_trampoline_lowered:
0x8: {  	[smem:$0x3FA3] =	sst s0  }
0x9: {  	[smem:$0x3FA4] =	sst s1  }
0xa: {  	[smem:$0x3FA5] =	sst s2  }
0xb: {  	[smem:$0x3FA6] =	sst s3  }
0xc: {  	[smem:$0x3FA7] =	sst s4  }
0xd: {  	[smem:$0x3FA8] =	sst s5  }
0xe: {  	[smem:$0x3FA9] =	sst s6  }
0xf: {  	[smem:$0x3FAA] =	sst s7  }
0x10: {  	[smem:$0x3FAB] =	sst s8  }
0x11: {  	[smem:$0x3FAC] =	sst s9;
	s0 =	simm.s32 @!p0 $0x0  }
0x12: {  	s1 =	sld [smem:$0x3F92];
	s0 =	simm.s32 @p0 $0x1  }
0x13: {  	[smem:$0x3FAD] =	sst s0;
	s0 =	simm.s32 @!p1 $0x0  }
0x14: {  	s2 =	sld [smem:$0x3F91];
	s0 =	simm.s32 @p1 $0x1  }
0x15: {  	[smem:$0x3FAE] =	sst s0;
	s0 =	simm.s32 @!p2 $0x0  }
0x16: {  	s3 =	sld [smem:$0x3FDB];
	s0 =	simm.s32 @p2 $0x1  }
0x17: {  	s4 =	simm.s32 $0x1BF5;
	[smem:$0x3FB0] =	sst s0  }
0x18: {  	s0 =	sld [smem:$0x3F93];
	_ =	swait.ge [sflag:s4], $0x0  }
0x19: {  	s7 =	sld [smem:$0x3F94]  }
0x1a: {  	s8 =	sadd.s32 $0xFFFFE003, lr  }
0x1b: {  	s9 =	sadd.s32 $0xFFFFFEF7, lr;
	s5 =	simm.s32 $0xFFFFFFFF;
	p2 =	slt.u32 s8, $0xFFFFF086  }
0x1c: {  	p1 =	slt.u32 s9, $0xF7A;
	s5 =	simm.s32 @!p2 $0x0  }
0x1d: {  	s5 =	simm.s32 @p1 $0x1;
	p0 =	seq.s32 s7, s2  }
0x1e: {  	s7 =	smul.u32 @!p0 $0xF7A, s2;
	p2 =	seq.s32 @!p0 s5, $0x0  }
0x1f: {  	s9 =	smul.u32 $0xF7A, s1;
	s8 =	simm.s32 @!p0 $0x1BF5;
	p2 =	por !p2, p0  }
0x20: {  	[sflag:s8] =	ssyncset.s32 @!p0 $0xFFFFF086;
	s6 =	sadd.s32 @!p0 s3, s7;
	s7 =	simm.s32 @!p0 $0x108  }
0x21: {  	s3 =	sadd.s32 s3, s9;
	s6 =	sadd.s32 @!p0 $0x88, s6;
	s7 =	simm.s32 @p2 $0x1082  }
0x22: {  	[simem:s7], [sflag:s8] =	dma.local @!p0 [hbm:s6], $0xF7A  }
0x23: {  	s9 =	sor.u32 $0xD0000000, s2;
	s6 =	simm.s32 $0x108;
	_ =	swait.ge @!p0 [sflag:s8], $0x0  }
0x24: {  	s3 =	sadd.s32 $0x88, s3;
	s6 =	simm.s32 @!p1 $0x1082;
	[sflag:s4] =	ssyncset.s32 $0xFFFFF086  }
0x25: {  	[simem:s6], [sflag:s4] =	dma.local [hbm:s3], $0xF7A  }
0x26: {  	[smem:$0x3F94] =	sst s1;
	(tag) =	ssettag s2;
	_ =	strace s9  }
0x27: {  	s1 =	sld [smem:$0x3FA4]  }
0x28: {  	s2 =	sld [smem:$0x3FA5]  }
0x29: {  	s4 =	sld [smem:$0x3FA7]  }
0x2a: {  	p0 =	seq.s32 s5, $0x0;
	s5 =	sld [smem:$0x3FA8]  }
0x2b: {  	s6 =	sld [smem:$0x3FA9]  }
0x2c: {  	s7 =	sld [smem:$0x3FAA]  }
0x2d: {  	s3 =	simm.s32 $0x108;
	s8 =	sld [smem:$0x3FAB]  }
0x2e: {  	s3 =	simm.s32 @!p0 $0x1082;
	s9 =	sld [smem:$0x3FAC]  }
0x2f: {  	lr =	sadd.s32 s0, s3;
	s0 =	sld [smem:$0x3FA3]  }
0x30: {  	s3 =	sld [smem:$0x3FA6]  }
0x31: {  	[smem:$0x3FAF] =	sst s10  }
0x32: {  	s10 =	sld [smem:$0x3FAD];
	_ =	sdelay $0x3  }
0x33: {  	p0 =	seq.s32 s10, $0x1;
	s10 =	sld [smem:$0x3FAF];
	_ =	sdelay $0x3  }
0x34: {  	[smem:$0x3FAF] =	sst s10  }
0x35: {  	s10 =	sld [smem:$0x3FAE];
	_ =	sdelay $0x3  }
0x36: {  	p1 =	seq.s32 s10, $0x1;
	s10 =	sld [smem:$0x3FAF];
	_ =	sdelay $0x3  }
0x37: {  	[smem:$0x3FAF] =	sst s10  }
0x38: {  	s10 =	sld [smem:$0x3FB0]  }
0x39: {  	_ = 	snop;
	(pc) =	sbr.ind lr, $3  }
0x3a: {  	_ = 	snop  }
0x3b: {  	_ = 	snop  }
0x3c: {  	p2 =	seq.s32 s10, $0x1;
	s10 =	sld [smem:$0x3FAF]  }
0x3d: {  	_ =	shalt  }
0x3e: {  	_ =	shalt  }
0x3f: {  	_ =	shalt  }
0x40: {  	_ =	shalt  }
0x41: {  	_ =	shalt  }
0x42: {  	_ =	shalt  }
0x43: {  	_ =	shalt  }
0x44: {  	_ =	shalt  }
0x45: {  	_ =	shalt  }
0x46: {  	_ =	shalt  }
0x47: {  	_ =	shalt  }
0x48: {  	_ =	shalt  }
0x49: {  	_ =	shalt  }
0x4a: {  	_ =	shalt  }
0x4b: {  	_ =	shalt  }
0x4c: {  	_ =	shalt  }
0x4d: {  	_ =	shalt  }
0x4e: {  	_ =	shalt  }
0x4f: {  	_ =	shalt  }
0x50: {  	_ =	shalt  }
0x51: {  	_ =	shalt  }
0x52: {  	_ =	shalt  }
0x53: {  	_ =	shalt  }
0x54: {  	_ =	shalt  }
0x55: {  	_ =	shalt  }
0x56: {  	_ =	shalt  }
0x57: {  	_ =	shalt  }
0x58: {  	_ =	shalt  }
0x59: {  	_ =	shalt  }
0x5a: {  	_ =	shalt  }
0x5b: {  	_ =	shalt  }
0x5c: {  	_ =	shalt  }
0x5d: {  	_ =	shalt  }
0x5e: {  	_ =	shalt  }
0x5f: {  	_ =	shalt  }
0x60: {  	_ =	shalt  }
0x61: {  	_ =	shalt  }
0x62: {  	_ =	shalt  }
0x63: {  	_ =	shalt  }
0x64: {  	_ =	shalt  }
0x65: {  	_ =	shalt  }
0x66: {  	_ =	shalt  }
0x67: {  	_ =	shalt  }
0x68: {  	_ =	shalt  }
0x69: {  	_ =	shalt  }
0x6a: {  	_ =	shalt  }
0x6b: {  	_ =	shalt  }
0x6c: {  	_ =	shalt  }
0x6d: {  	_ =	shalt  }
0x6e: {  	_ =	shalt  }
0x6f: {  	_ =	shalt  }
0x70: {  	_ =	shalt  }
0x71: {  	_ =	shalt  }
0x72: {  	_ =	shalt  }
0x73: {  	_ =	shalt  }
0x74: {  	_ =	shalt  }
0x75: {  	_ =	shalt  }
0x76: {  	_ =	shalt  }
0x77: {  	_ =	shalt  }
0x78: {  	_ =	shalt  }
0x79: {  	_ =	shalt  }
0x7a: {  	_ =	shalt  }
0x7b: {  	_ =	shalt  }
0x7c: {  	_ =	shalt  }
0x7d: {  	_ =	shalt  }
0x7e: {  	_ =	shalt  }
0x7f: {  	_ =	shalt  }
0x80: {  	_ =	shalt  }
0x81: {  	_ =	shalt  }
0x82: {  	_ =	shalt  }
0x83: {  	_ =	shalt  }
0x84: {  	_ =	shalt  }
0x85: {  	_ =	shalt  }
0x86: {  	_ =	shalt  }
0x87: {  	_ =	shalt  }
.Lfunc_end0:
.L_simem_size_0:
called_computation.1_lowered:
.L_overlay_start_0:
0x88: {  	s2 =	sld [smem:$0x3FD9]  }
0x89: {  	s3 =	sld [smem:$0x3FFE];
	_ =	sdelay $0x1  }
0x8a: {  	s1 =	srdreg.scid  }
0x8b: {  	s0 =	sand.u32 $0x1, s1  }
0x8c: {  	s16 =	sshll.u32 s0, $0xA;
	s2 =	sadd.s32 s3, s2  }
0x8d: {  	s2 =	sadd.s32 s2, s16  }
0x8e: {  	[smem:$0x3FBB] =	sst s2  }
0x8f: {  	_ = 	snop  }
0x90: {  	(tm) =	ssettm $0x1  }
0x91: {  	s17 =	sld [smem:$0x3FFB];
	_ =	sdelay $0x3  }
0x92: {  	_ =	strace s17  }
0x93: {  	s2 =	sld [smem:$0x3FFC];
	_ =	sdelay $0x3  }
0x94: {  	_ =	strace s2  }
0x95: {  	s2 =	sld [smem:$0x3FFD];
	_ =	sdelay $0x3  }
0x96: {  	_ =	strace s2  }
0x97: {  	_ =	strace $0x8FFFFFFF  }
0x98: {  	s18 =	sld [smem:$0x3FDB];
	_ =	sdelay $0x1  }
0x99: {  	s19 =	simm.s32 $_scs_section_size  }
0x9a: {  	s4 =	simm.s32 $_size__tile_overlayer_lowered;
	s5 =	simm.s32 $_tile_overlayer_lowered  }
0x9b: {  	s22 =	simm.s32 $0x1BFF;
	s21 =	sshll.u32 s5, $0x1;
	s2 =	sadd.s32 s19, s18  }
0x9c: {  	s6 =	simm.s32 $0x0;
	s20 =	sshll.u32 s4, $0x1;
	s4 =	sadd.s32 s21, s2  }
0x9d: {  	[timem:s6], [sflag:s22] =	dma.local [hbm:s4], s20  }
0x9e: {  	_ =	swait.ge [sflag:s22], s20  }
0x9f: {  	s3 =	ssub.s32 $0x0, s20;
	[sflag:s22] =	ssyncset.done $0x0  }
0xa0: {  	[sflag:s22] =	ssyncadd.s32 s3;
	_ =	sdelay $0x1  }
0xa1: {  	s23 =	simm.s32 $0x1B8B  }
0xa2: {  	_ =	swait.ge [sflag:s23], $0x1  }
0xa3: {  	[sflag:s23] =	ssyncset.done $0x0  }
0xa4: {  	s25 =	simm.s32 $0x1B8E;
	s24 =	sld [smem:$0x3FFE];
	[sflag:s23] =	ssyncadd.s32 $0xFFFFFFFF  }
0xa5: {  	s26 =	simm.s32 $execute0_lowered;
	[smem:$0x3FD2] =	sst s25  }
0xa6: {  	s4 =	sshll.u32 s26, $0x1;
	_ =	strace $0x80000049;
	[dreg:$0x1] =	wrdreg $0xFFFFFFFF  }
0xa7: {  	s28 =	simm.s32 $_size_execute0_lowered;
	s2 =	sadd.s32 s2, s4;
	[dreg:$0x0] =	wrdreg $0x0  }
0xa8: {  	s4 =	sshll.u32 s28, $0x1;
	[dreg:$0x2] =	wrdreg s2  }
0xa9: {  	[dreg:$0x3] =	wrdreg s4  }
0xaa: {  	[dreg:$0x4] =	wrdreg $0xC0  }
0xab: {  	_ =	task [dreg:s6], $0x5FFFF  }
0xac: {  	[dreg:$0x1] =	wrdreg $0xFFFFFFFF  }
0xad: {  	[dreg:$0x0] =	wrdreg $0x60  }
0xae: {  	[dreg:$0x2] =	wrdreg s24  }
0xaf: {  	[dreg:$0x3] =	wrdreg $0x70000  }
0xb0: {  	[dreg:$0x4] =	wrdreg $0x9  }
0xb1: {  	_ =	task.clear_ibuf [dreg:s6], $0x5FFFF;
	_ =	strace $0x90000049  }
0xb2: {  	s29 =	simm.s32 $0x9;
	_ =	strace $0x8000004B  }
0xb3: {  	_ =	swait.ge [sflag:s29], $0x1  }
0xb4: {  	[sflag:s29] =	ssyncadd.s32 $0xFFFFFFFF  }
0xb5: {  	_ =	strace $0x9000004B  }
0xb6: {  	_ =	sfence  }
0xb7: {  	s30 =	sld [smem:$0x0];
	_ =	sdelay $0x2  }
0xb8: {  	s31 =	sshll.u32 s1, $0xD;
	s1 =	sshrl.u32 s1, $0x2  }
0xb9: {  	s3 =	sand.u32 $0x4000, s31;
	s1 =	sadd.s32 s1, s30  }
0xba: {  	s0 =	sor.u32 s3, s0;
	s1 =	sshll.u32 s1, $0x11  }
0xbb: {  	s0 =	sor.u32 s1, s0  }
0xbc: {  	s0 =	sadd.s32 $0x8F2B, s0  }
0xbd: {  	[sflag:s0] =	ssyncadd.remote.s32 $0x1  }
0xbe: {  	_ =	sfence.sel $0xFFFF  }
0xbf: {  	[dreg:$0x0] =	wrdreg $0xFFFFFFFF;
	(pc) =	sbr.abs _section_cstart, $3  }
0xc0: {  	[dreg:$0x1] =	wrdreg $0xFFFFFFFF  }
0xc1: {  	_ =	task.clear_ibuf [dreg:s6], $0x2FFFF;
	_ =	strace $0x9FFFFFFF  }
0xc2: {  	(tm) =	ssettm $0x7FFFFFFF  }
0xc3: {  	_ =	shalt  }
tec
execute0_lowered:
.L_overlay_start_1:
0x0: {  	(tag) =	ssettag $0x1  }
0x1: {  	s5 =	rddreg [dreg:$0x0]  }
0x2: {  	s2 =	rddreg [dreg:$0x1]  }
0x3: {  	s0 =	rddreg [dreg:$0x2]  }
0x4: {  	s4 =	srdreg.scid;
	s1 =	stileid.u32  }
0x5: {  	s3 =	simm.s32 $0x0;
	s14 =	simm.s32 $0x80;
	s15 =	simm.s32 $0x5000  }
0x6: {  	s16 =	simm.s32 $0x1;
	s17 =	simm.s32 $0x0;
	s6 =	sand.u32 $0x1, s4  }
0x7: {  	s7 =	smul.u32 $0x9E00, s1;
	[smem:$0x7FF] =	sst s3;
	s4 =	sadd.s32 $0x74A00, s5  }
0x8: {  	s11 =	sadd.s32 $0x88600, s5;
	s31 =	sshll.u32 s1, $0x6;
	s8 =	sshll.u32 s6, $0x4  }
0x9: {  	s9 =	smul.u32 $0x9E000, s6;
	_ =	strace $0x8000004A;
	s10 =	ssub.s32 $0x2, s6  }
0xa: {  	p0 =	seq.s32 s6, $0x0;
	s8 =	sor.u32 s1, s8;
	s12 =	sshrl.u32 s10, $0x1  }
0xb: {  	s30 =	sadd.s32 s7, s2;
	s13 =	sshrl.u32 s7, $0x3;
	s8 =	smul.u32 $0x500, s8  }
0xc: {  	s11 =	smov.u32 @p0 s4;
	s9 =	sadd.s32 s7, s9;
	s10 =	ssub.s32 s10, s12  }
0xd: {  	s12 =	simm.s32 $0x2;
	s9 =	sshrl.u32 s9, $0x3;
	s8 =	sadd.s32 s8, s5  }
0xe: {  	s9 =	sadd.s32 s9, s5;
	s5 =	sadd.s32 $0x1BA00, s8;
	s6 =	sadd.s32 $0x2A00, s8  }
0xf: {  	s7 =	sadd.s32 $0x9C200, s9;
	s8 =	smax.u32 s10, $0x1;
	s9 =	sadd.s32 s11, s13  }
0x10: {  	s10 =	sor.u32 $0x1C02, s31;
	s11 =	sshrl.u32 s30, $0x3;
	s13 =	simm.s32 $0x2800  }
.LBB2_1:
0x11: {  	[spmem:s11], [sflag:s10] =	dma.local [hbm:s9], $0x13C0  }
0x12: {  	_ =	swait.ge [sflag:s12], $0x13C0  }
0x13: {  	[sflag:s12] =	ssyncset.done $0x0  }
0x14: {  	[sflag:s12] =	ssyncadd.s32 $0xFFFFEC40  }
0x15: {  	[tilespmem:s3], [sflag:$0x2] =	stream.linear.gather [hbm4b:s5+s3], $0x2800, $0x38;
	[tilespmem:$0x10E00] =	vst v63  }
0x16: {  	_ =	swait.ge [sflag:s12], $0x2800  }
0x17: {  	[sflag:s12] =	ssyncset.done $0x0  }
0x18: {  	[sflag:s12] =	ssyncadd.s32 $0xFFFFD800  }
0x19: {  	[tilespmem:s13], [sflag:$0x2] =	stream.linear.gather [hbm4b:s6+s3], $0x2800, $0x38;
	[tilespmem:$0x10E00] =	vst v63  }
0x1a: {  	_ =	swait.ge [sflag:s12], $0x2800  }
0x1b: {  	[sflag:s12] =	ssyncset.done $0x0  }
0x1c: {  	[sflag:s12] =	ssyncadd.s32 $0xFFFFD800  }
0x1d: {  	s18 =	simm.s32 $0x0;
	[bflag:$0x0] =	sbarrier.arrive $0xFFFF  }
0x1e: {  	[tilespmem:s15], [sflag:$0x1] =	stream.indirect.gather [hbm4b:s4+s14], $0x40, s18, s14, $0xb8;
	[tilespmem:$0x10E00] =	vst v63  }
0x1f: {  	_ =	swait.ge [sflag:s16], $0x2000  }
0x20: {  	[sflag:s16] =	ssyncset.done $0x0  }
0x21: {  	s31 =	simm.s32 $0x2800;
	[sflag:s16] =	ssyncadd.s32 $0xFFFFE000  }
0x22: {  	[spmem:s2] =	stream.indirect.scatter.add.f32 [tilespmem:s15], [sflag:$0x2], $0x40, s31, s14, $0xb8;
	[tilespmem:$0x10E00] =	vst v63  }
0x23: {  	_ =	swait.ge [sflag:s12], $0x2000  }
0x24: {  	s19 =	simm.s32 $0x400;
	s18 =	simm.s32 $0x200;
	[sflag:s12] =	ssyncset.done $0x0  }
.LBB2_2:
0x25: {  	s20 =	sshra.s32 s18, $0x2  }
0x26: {  	[sflag:s12] =	ssyncadd.s32 $0xFFFFE000;
	s18 =	smov.u32 s19;
	s21 =	sadd.s32 $0x200, s19  }
0x27: {  	[tilespmem:s15], [sflag:$0x1] =	stream.indirect.gather [hbm4b:s4+s14], $0x40, s20, s14, $0xb8;
	[tilespmem:$0x10E00] =	vst v63  }
0x28: {  	p0 =	sne.s32 s19, $0x9E00;
	_ =	swait.ge [sflag:s16], $0x2000  }
.Ltmp0:
0x29: {  	[sflag:s16] =	ssyncset.done $0x0;
	(pc) =	sbr.rel @p0 .LBB2_2-.Ltmp0, $4  }
0x2a: {  	s19 =	sadd.s32 $0x2800, s20;
	[sflag:s16] =	ssyncadd.s32 $0xFFFFE000  }
0x2b: {  	[spmem:s2] =	stream.indirect.scatter.add.f32 [tilespmem:s15], [sflag:$0x2], $0x40, s19, s14, $0xb8;
	[tilespmem:$0x10E00] =	vst v63  }
0x2c: {  	_ =	swait.ge [sflag:s12], $0x2000  }
0x2d: {  	s19 =	smov.u32 s21;
	[sflag:s12] =	ssyncset.done $0x0  }
0x2e: {  	s18 =	sshra.s32 s18, $0x2;
	[sflag:s12] =	ssyncadd.s32 $0xFFFFE000  }
0x2f: {  	[tilespmem:s15], [sflag:$0x1] =	stream.indirect.gather [hbm4b:s4+s14], $0x40, s18, s14, $0xb8;
	[tilespmem:$0x10E00] =	vst v63  }
0x30: {  	_ =	swait.ge [sflag:s16], $0x2000  }
0x31: {  	[sflag:s16] =	ssyncset.done $0x0  }
0x32: {  	s18 =	sadd.s32 $0x2800, s18;
	[sflag:s16] =	ssyncadd.s32 $0xFFFFE000  }
0x33: {  	[spmem:s2] =	stream.indirect.scatter.add.f32 [tilespmem:s15], [sflag:$0x2], $0x40, s18, s14, $0xb8;
	[tilespmem:$0x10E00] =	vst v63  }
0x34: {  	_ =	swait.ge [sflag:s12], $0x2000  }
0x35: {  	s17 =	sadd.s32 $0x1, s17;
	[sflag:s12] =	ssyncset.done $0x0  }
0x36: {  	p0 =	sne.s32 s17, s8;
	[sflag:s12] =	ssyncadd.s32 $0xFFFFE000  }
.Ltmp1:
0x37: {  	[bflag:$0x0] =	sbarrier.arrive $0xFFFF;
	(pc) =	sbr.rel @p0 .LBB2_1-.Ltmp1, $4  }
0x38: {  	[hbm:s7], [sflag:s10] =	dma.local [spmem:s11], $0x13C0  }
0x39: {  	_ =	swait.ge [sflag:s12], $0x13C0  }
0x3a: {  	[sflag:s12] =	ssyncset.done $0x0  }
0x3b: {  	[sflag:s12] =	ssyncadd.s32 $0xFFFFEC40  }
0x3c: {  	_ =	sfence.sel $0x180000  }
0x3d: {  	[bflag:$0x0] =	sbarrier.arrive $0xFFFF  }
0x3e: {  	p0 =	sne.s32 s1, $0x0;
	_ =	strace $0x9000004A  }
0x3f: {  	s0 =	sadd.s32 @!p0 $0x100000, s0;
	[bflag:$0x2] =	sbarrier.arrive $0xFFFF  }
0x40: {  	[sflag:s0] =	ssyncadd.tile.s32 @!p0 $0x1;
	_ =	shalt  }
.Lfunc_end2:
_tile_overlayer_lowered:
.L_overlay_start_2:
0x41: {  	(tag) =	ssettag $0x2  }
0x42: {  	s0 =	rddreg [dreg:$0x0];
	s2 =	stileid.u32  }
0x43: {  	s1 =	rddreg [dreg:$0x1];
	p0 =	sne.s32 s2, $0x0  }
0x44: {  	s3 =	rddreg [dreg:$0x2];
	[bflag:$0x3] =	sbarrier.arrive $0xFFFF;
	s2 =	simm.s32 @!p0 $0x1C02  }
0x45: {  	[timem:s3], [sflag:s2] =	dma.local @!p0 [hbm:s0], s1  }
0x46: {  	s0 =	simm.s32 @!p0 $0x2  }
0x47: {  	_ =	swait.ge @!p0 [sflag:s0], s1  }
0x48: {  	s1 =	ssub.s32 @!p0 $0x0, s1;
	[sflag:s0] =	ssyncset.done @!p0 $0x0  }
0x49: {  	[sflag:s0] =	ssyncadd.s32 @!p0 s1  }
0x4a: {  	[bflag:$0x3] =	sbarrier.arrive $0xFFFF  }
0x4b: {  	_ =	shalt  }

// kernel: kernel.14.cloned.1.call-start
scs
__scs_entry_jumppad:
0x0: {  	(pc) =	sbr.rel $0x88, $3  }
0x1: {  	(tag) =	ssettag $0x0;
	lr =	simm.s32 $0x1  }
0x2: {  	[smem:$0x3F94] =	sst lr;
	_ =	strace $0xD0000000  }
0x3: {  	_ = 	snop  }
0x4: {  	_ = 	snop  }
0x5: {  	_ = 	snop  }
0x6: {  	_ = 	snop  }
0x7: {  	_ = 	snop  }
__scs_overlays_trampoline_lowered:
0x8: {  	[smem:$0x3FA3] =	sst s0  }
0x9: {  	[smem:$0x3FA4] =	sst s1  }
0xa: {  	[smem:$0x3FA5] =	sst s2  }
0xb: {  	[smem:$0x3FA6] =	sst s3  }
0xc: {  	[smem:$0x3FA7] =	sst s4  }
0xd: {  	[smem:$0x3FA8] =	sst s5  }
0xe: {  	[smem:$0x3FA9] =	sst s6  }
0xf: {  	[smem:$0x3FAA] =	sst s7  }
0x10: {  	[smem:$0x3FAB] =	sst s8  }
0x11: {  	[smem:$0x3FAC] =	sst s9;
	s0 =	simm.s32 @!p0 $0x0  }
0x12: {  	s1 =	sld [smem:$0x3F92];
	s0 =	simm.s32 @p0 $0x1  }
0x13: {  	[smem:$0x3FAD] =	sst s0;
	s0 =	simm.s32 @!p1 $0x0  }
0x14: {  	s2 =	sld [smem:$0x3F91];
	s0 =	simm.s32 @p1 $0x1  }
0x15: {  	[smem:$0x3FAE] =	sst s0;
	s0 =	simm.s32 @!p2 $0x0  }
0x16: {  	s3 =	sld [smem:$0x3FDB];
	s0 =	simm.s32 @p2 $0x1  }
0x17: {  	s4 =	simm.s32 $0x1BF5;
	[smem:$0x3FB0] =	sst s0  }
0x18: {  	s0 =	sld [smem:$0x3F93];
	_ =	swait.ge [sflag:s4], $0x0  }
0x19: {  	s7 =	sld [smem:$0x3F94]  }
0x1a: {  	s8 =	sadd.s32 $0xFFFFE003, lr  }
0x1b: {  	s9 =	sadd.s32 $0xFFFFFEF7, lr;
	s5 =	simm.s32 $0xFFFFFFFF;
	p2 =	slt.u32 s8, $0xFFFFF086  }
0x1c: {  	p1 =	slt.u32 s9, $0xF7A;
	s5 =	simm.s32 @!p2 $0x0  }
0x1d: {  	s5 =	simm.s32 @p1 $0x1;
	p0 =	seq.s32 s7, s2  }
0x1e: {  	s7 =	smul.u32 @!p0 $0xF7A, s2;
	p2 =	seq.s32 @!p0 s5, $0x0  }
0x1f: {  	s9 =	smul.u32 $0xF7A, s1;
	s8 =	simm.s32 @!p0 $0x1BF5;
	p2 =	por !p2, p0  }
0x20: {  	[sflag:s8] =	ssyncset.s32 @!p0 $0xFFFFF086;
	s6 =	sadd.s32 @!p0 s3, s7;
	s7 =	simm.s32 @!p0 $0x108  }
0x21: {  	s3 =	sadd.s32 s3, s9;
	s6 =	sadd.s32 @!p0 $0x88, s6;
	s7 =	simm.s32 @p2 $0x1082  }
0x22: {  	[simem:s7], [sflag:s8] =	dma.local @!p0 [hbm:s6], $0xF7A  }
0x23: {  	s9 =	sor.u32 $0xD0000000, s2;
	s6 =	simm.s32 $0x108;
	_ =	swait.ge @!p0 [sflag:s8], $0x0  }
0x24: {  	s3 =	sadd.s32 $0x88, s3;
	s6 =	simm.s32 @!p1 $0x1082;
	[sflag:s4] =	ssyncset.s32 $0xFFFFF086  }
0x25: {  	[simem:s6], [sflag:s4] =	dma.local [hbm:s3], $0xF7A  }
0x26: {  	[smem:$0x3F94] =	sst s1;
	(tag) =	ssettag s2;
	_ =	strace s9  }
0x27: {  	s1 =	sld [smem:$0x3FA4]  }
0x28: {  	s2 =	sld [smem:$0x3FA5]  }
0x29: {  	s4 =	sld [smem:$0x3FA7]  }
0x2a: {  	p0 =	seq.s32 s5, $0x0;
	s5 =	sld [smem:$0x3FA8]  }
0x2b: {  	s6 =	sld [smem:$0x3FA9]  }
0x2c: {  	s7 =	sld [smem:$0x3FAA]  }
0x2d: {  	s3 =	simm.s32 $0x108;
	s8 =	sld [smem:$0x3FAB]  }
0x2e: {  	s3 =	simm.s32 @!p0 $0x1082;
	s9 =	sld [smem:$0x3FAC]  }
0x2f: {  	lr =	sadd.s32 s0, s3;
	s0 =	sld [smem:$0x3FA3]  }
0x30: {  	s3 =	sld [smem:$0x3FA6]  }
0x31: {  	[smem:$0x3FAF] =	sst s10  }
0x32: {  	s10 =	sld [smem:$0x3FAD];
	_ =	sdelay $0x3  }
0x33: {  	p0 =	seq.s32 s10, $0x1;
	s10 =	sld [smem:$0x3FAF];
	_ =	sdelay $0x3  }
0x34: {  	[smem:$0x3FAF] =	sst s10  }
0x35: {  	s10 =	sld [smem:$0x3FAE];
	_ =	sdelay $0x3  }
0x36: {  	p1 =	seq.s32 s10, $0x1;
	s10 =	sld [smem:$0x3FAF];
	_ =	sdelay $0x3  }
0x37: {  	[smem:$0x3FAF] =	sst s10  }
0x38: {  	s10 =	sld [smem:$0x3FB0]  }
0x39: {  	_ = 	snop;
	(pc) =	sbr.ind lr, $3  }
0x3a: {  	_ = 	snop  }
0x3b: {  	_ = 	snop  }
0x3c: {  	p2 =	seq.s32 s10, $0x1;
	s10 =	sld [smem:$0x3FAF]  }
0x3d: {  	_ =	shalt  }
0x3e: {  	_ =	shalt  }
0x3f: {  	_ =	shalt  }
0x40: {  	_ =	shalt  }
0x41: {  	_ =	shalt  }
0x42: {  	_ =	shalt  }
0x43: {  	_ =	shalt  }
0x44: {  	_ =	shalt  }
0x45: {  	_ =	shalt  }
0x46: {  	_ =	shalt  }
0x47: {  	_ =	shalt  }
0x48: {  	_ =	shalt  }
0x49: {  	_ =	shalt  }
0x4a: {  	_ =	shalt  }
0x4b: {  	_ =	shalt  }
0x4c: {  	_ =	shalt  }
0x4d: {  	_ =	shalt  }
0x4e: {  	_ =	shalt  }
0x4f: {  	_ =	shalt  }
0x50: {  	_ =	shalt  }
0x51: {  	_ =	shalt  }
0x52: {  	_ =	shalt  }
0x53: {  	_ =	shalt  }
0x54: {  	_ =	shalt  }
0x55: {  	_ =	shalt  }
0x56: {  	_ =	shalt  }
0x57: {  	_ =	shalt  }
0x58: {  	_ =	shalt  }
0x59: {  	_ =	shalt  }
0x5a: {  	_ =	shalt  }
0x5b: {  	_ =	shalt  }
0x5c: {  	_ =	shalt  }
0x5d: {  	_ =	shalt  }
0x5e: {  	_ =	shalt  }
0x5f: {  	_ =	shalt  }
0x60: {  	_ =	shalt  }
0x61: {  	_ =	shalt  }
0x62: {  	_ =	shalt  }
0x63: {  	_ =	shalt  }
0x64: {  	_ =	shalt  }
0x65: {  	_ =	shalt  }
0x66: {  	_ =	shalt  }
0x67: {  	_ =	shalt  }
0x68: {  	_ =	shalt  }
0x69: {  	_ =	shalt  }
0x6a: {  	_ =	shalt  }
0x6b: {  	_ =	shalt  }
0x6c: {  	_ =	shalt  }
0x6d: {  	_ =	shalt  }
0x6e: {  	_ =	shalt  }
0x6f: {  	_ =	shalt  }
0x70: {  	_ =	shalt  }
0x71: {  	_ =	shalt  }
0x72: {  	_ =	shalt  }
0x73: {  	_ =	shalt  }
0x74: {  	_ =	shalt  }
0x75: {  	_ =	shalt  }
0x76: {  	_ =	shalt  }
0x77: {  	_ =	shalt  }
0x78: {  	_ =	shalt  }
0x79: {  	_ =	shalt  }
0x7a: {  	_ =	shalt  }
0x7b: {  	_ =	shalt  }
0x7c: {  	_ =	shalt  }
0x7d: {  	_ =	shalt  }
0x7e: {  	_ =	shalt  }
0x7f: {  	_ =	shalt  }
0x80: {  	_ =	shalt  }
0x81: {  	_ =	shalt  }
0x82: {  	_ =	shalt  }
0x83: {  	_ =	shalt  }
0x84: {  	_ =	shalt  }
0x85: {  	_ =	shalt  }
0x86: {  	_ =	shalt  }
0x87: {  	_ =	shalt  }
.Lfunc_end0:
.L_simem_size_0:
called_computation.2_lowered:
.L_overlay_start_0:
0x88: {  	s2 =	sld [smem:$0x3FD9]  }
0x89: {  	s3 =	sld [smem:$0x3FFE];
	_ =	sdelay $0x1  }
0x8a: {  	s1 =	srdreg.scid  }
0x8b: {  	s0 =	sand.u32 $0x1, s1  }
0x8c: {  	s16 =	sshll.u32 s0, $0xA;
	s2 =	sadd.s32 s3, s2  }
0x8d: {  	s2 =	sadd.s32 s2, s16  }
0x8e: {  	[smem:$0x3FBB] =	sst s2  }
0x8f: {  	_ = 	snop  }
0x90: {  	(tm) =	ssettm $0x1  }
0x91: {  	s17 =	sld [smem:$0x3FFB];
	_ =	sdelay $0x3  }
0x92: {  	_ =	strace s17  }
0x93: {  	s2 =	sld [smem:$0x3FFC];
	_ =	sdelay $0x3  }
0x94: {  	_ =	strace s2  }
0x95: {  	s2 =	sld [smem:$0x3FFD];
	_ =	sdelay $0x3  }
0x96: {  	_ =	strace s2  }
0x97: {  	_ =	strace $0x8FFFFFFF  }
0x98: {  	s18 =	sld [smem:$0x3FDB];
	_ =	sdelay $0x1  }
0x99: {  	s19 =	simm.s32 $_scs_section_size  }
0x9a: {  	s4 =	simm.s32 $_size__tile_overlayer_lowered;
	s5 =	simm.s32 $_tile_overlayer_lowered  }
0x9b: {  	s22 =	simm.s32 $0x1BFF;
	s21 =	sshll.u32 s5, $0x1;
	s2 =	sadd.s32 s19, s18  }
0x9c: {  	s6 =	simm.s32 $0x0;
	s20 =	sshll.u32 s4, $0x1;
	s4 =	sadd.s32 s21, s2  }
0x9d: {  	[timem:s6], [sflag:s22] =	dma.local [hbm:s4], s20  }
0x9e: {  	_ =	swait.ge [sflag:s22], s20  }
0x9f: {  	s3 =	ssub.s32 $0x0, s20;
	[sflag:s22] =	ssyncset.done $0x0  }
0xa0: {  	[sflag:s22] =	ssyncadd.s32 s3;
	_ =	sdelay $0x1  }
0xa1: {  	s23 =	simm.s32 $0x1B8B  }
0xa2: {  	_ =	swait.ge [sflag:s23], $0x1  }
0xa3: {  	[sflag:s23] =	ssyncset.done $0x0  }
0xa4: {  	s25 =	simm.s32 $0x1B8E;
	s24 =	sld [smem:$0x3FFE];
	[sflag:s23] =	ssyncadd.s32 $0xFFFFFFFF  }
0xa5: {  	s26 =	simm.s32 $execute0_lowered;
	[smem:$0x3FD2] =	sst s25  }
0xa6: {  	s4 =	sshll.u32 s26, $0x1;
	_ =	strace $0x8000004C;
	[dreg:$0x1] =	wrdreg $0xFFFFFFFF  }
0xa7: {  	s28 =	simm.s32 $_size_execute0_lowered;
	s2 =	sadd.s32 s2, s4;
	[dreg:$0x0] =	wrdreg $0x0  }
0xa8: {  	s4 =	sshll.u32 s28, $0x1;
	[dreg:$0x2] =	wrdreg s2  }
0xa9: {  	[dreg:$0x3] =	wrdreg s4  }
0xaa: {  	[dreg:$0x4] =	wrdreg $0xC0  }
0xab: {  	_ =	task [dreg:s6], $0x5FFFF  }
0xac: {  	[dreg:$0x1] =	wrdreg $0xFFFFFFFF  }
0xad: {  	[dreg:$0x0] =	wrdreg $0x60  }
0xae: {  	[dreg:$0x2] =	wrdreg s24  }
0xaf: {  	[dreg:$0x3] =	wrdreg $0x70000  }
0xb0: {  	[dreg:$0x4] =	wrdreg $0x9  }
0xb1: {  	_ =	task.clear_ibuf [dreg:s6], $0x5FFFF;
	_ =	strace $0x9000004C  }
0xb2: {  	s29 =	simm.s32 $0x9;
	_ =	strace $0x8000004E  }
0xb3: {  	_ =	swait.ge [sflag:s29], $0x1  }
0xb4: {  	[sflag:s29] =	ssyncadd.s32 $0xFFFFFFFF  }
0xb5: {  	_ =	strace $0x9000004E  }
0xb6: {  	_ =	sfence  }
0xb7: {  	s30 =	sld [smem:$0x0];
	_ =	sdelay $0x2  }
0xb8: {  	s31 =	sshll.u32 s1, $0xD;
	s1 =	sshrl.u32 s1, $0x2  }
0xb9: {  	s3 =	sand.u32 $0x4000, s31;
	s1 =	sadd.s32 s1, s30  }
0xba: {  	s0 =	sor.u32 s3, s0;
	s1 =	sshll.u32 s1, $0x11  }
0xbb: {  	s0 =	sor.u32 s1, s0  }
0xbc: {  	s0 =	sadd.s32 $0x8F2B, s0  }
0xbd: {  	[sflag:s0] =	ssyncadd.remote.s32 $0x1  }
0xbe: {  	_ =	sfence.sel $0xFFFF  }
0xbf: {  	[dreg:$0x0] =	wrdreg $0xFFFFFFFF;
	(pc) =	sbr.abs _section_cstart, $3  }
0xc0: {  	[dreg:$0x1] =	wrdreg $0xFFFFFFFF  }
0xc1: {  	_ =	task.clear_ibuf [dreg:s6], $0x2FFFF;
	_ =	strace $0x9FFFFFFF  }
0xc2: {  	(tm) =	ssettm $0x7FFFFFFF  }
0xc3: {  	_ =	shalt  }
tec
execute0_lowered:
.L_overlay_start_1:
0x0: {  	(tag) =	ssettag $0x1  }
0x1: {  	s5 =	rddreg [dreg:$0x0]  }
0x2: {  	s2 =	rddreg [dreg:$0x1]  }
0x3: {  	s0 =	rddreg [dreg:$0x2]  }
0x4: {  	s4 =	srdreg.scid;
	s1 =	stileid.u32  }
0x5: {  	s3 =	simm.s32 $0x0;
	s14 =	simm.s32 $0x80;
	s15 =	simm.s32 $0x5000  }
0x6: {  	s16 =	simm.s32 $0x1;
	s17 =	simm.s32 $0x0;
	s6 =	sand.u32 $0x1, s4  }
0x7: {  	s7 =	smul.u32 $0x9E00, s1;
	[smem:$0x7FF] =	sst s3;
	s4 =	sadd.s32 $0x74A00, s5  }
0x8: {  	s11 =	sadd.s32 $0x88600, s5;
	s31 =	sshll.u32 s1, $0x6;
	s8 =	sshll.u32 s6, $0x4  }
0x9: {  	s9 =	smul.u32 $0x9E000, s6;
	_ =	strace $0x8000004D;
	s10 =	ssub.s32 $0x2, s6  }
0xa: {  	p0 =	seq.s32 s6, $0x0;
	s8 =	sor.u32 s1, s8;
	s12 =	sshrl.u32 s10, $0x1  }
0xb: {  	s30 =	sadd.s32 s7, s2;
	s13 =	sshrl.u32 s7, $0x3;
	s8 =	smul.u32 $0x500, s8  }
0xc: {  	s11 =	smov.u32 @p0 s4;
	s9 =	sadd.s32 s7, s9;
	s10 =	ssub.s32 s10, s12  }
0xd: {  	s12 =	simm.s32 $0x2;
	s9 =	sshrl.u32 s9, $0x3;
	s8 =	sadd.s32 s8, s5  }
0xe: {  	s9 =	sadd.s32 s9, s5;
	s5 =	sadd.s32 $0x1BA00, s8;
	s6 =	sadd.s32 $0x2A00, s8  }
0xf: {  	s7 =	sadd.s32 $0x9C200, s9;
	s8 =	smax.u32 s10, $0x1;
	s9 =	sadd.s32 s11, s13  }
0x10: {  	s10 =	sor.u32 $0x1C02, s31;
	s11 =	sshrl.u32 s30, $0x3;
	s13 =	simm.s32 $0x2800  }
.LBB2_1:
0x11: {  	[spmem:s11], [sflag:s10] =	dma.local [hbm:s9], $0x13C0  }
0x12: {  	_ =	swait.ge [sflag:s12], $0x13C0  }
0x13: {  	[sflag:s12] =	ssyncset.done $0x0  }
0x14: {  	[sflag:s12] =	ssyncadd.s32 $0xFFFFEC40  }
0x15: {  	[tilespmem:s3], [sflag:$0x2] =	stream.linear.gather [hbm4b:s5+s3], $0x2800, $0x38;
	[tilespmem:$0x10E00] =	vst v63  }
0x16: {  	_ =	swait.ge [sflag:s12], $0x2800  }
0x17: {  	[sflag:s12] =	ssyncset.done $0x0  }
0x18: {  	[sflag:s12] =	ssyncadd.s32 $0xFFFFD800  }
0x19: {  	[tilespmem:s13], [sflag:$0x2] =	stream.linear.gather [hbm4b:s6+s3], $0x2800, $0x38;
	[tilespmem:$0x10E00] =	vst v63  }
0x1a: {  	_ =	swait.ge [sflag:s12], $0x2800  }
0x1b: {  	[sflag:s12] =	ssyncset.done $0x0  }
0x1c: {  	[sflag:s12] =	ssyncadd.s32 $0xFFFFD800  }
0x1d: {  	s18 =	simm.s32 $0x0;
	[bflag:$0x0] =	sbarrier.arrive $0xFFFF  }
0x1e: {  	[tilespmem:s15], [sflag:$0x1] =	stream.indirect.gather [hbm4b:s4+s14], $0x40, s18, s14, $0xb8;
	[tilespmem:$0x10E00] =	vst v63  }
0x1f: {  	_ =	swait.ge [sflag:s16], $0x2000  }
0x20: {  	[sflag:s16] =	ssyncset.done $0x0  }
0x21: {  	s31 =	simm.s32 $0x2800;
	[sflag:s16] =	ssyncadd.s32 $0xFFFFE000  }
0x22: {  	[spmem:s2] =	stream.indirect.scatter.add.f32 [tilespmem:s15], [sflag:$0x2], $0x40, s31, s14, $0xb8;
	[tilespmem:$0x10E00] =	vst v63  }
0x23: {  	_ =	swait.ge [sflag:s12], $0x2000  }
0x24: {  	s19 =	simm.s32 $0x400;
	s18 =	simm.s32 $0x200;
	[sflag:s12] =	ssyncset.done $0x0  }
.LBB2_2:
0x25: {  	s20 =	sshra.s32 s18, $0x2  }
0x26: {  	[sflag:s12] =	ssyncadd.s32 $0xFFFFE000;
	s18 =	smov.u32 s19;
	s21 =	sadd.s32 $0x200, s19  }
0x27: {  	[tilespmem:s15], [sflag:$0x1] =	stream.indirect.gather [hbm4b:s4+s14], $0x40, s20, s14, $0xb8;
	[tilespmem:$0x10E00] =	vst v63  }
0x28: {  	p0 =	sne.s32 s19, $0x9E00;
	_ =	swait.ge [sflag:s16], $0x2000  }
.Ltmp0:
0x29: {  	[sflag:s16] =	ssyncset.done $0x0;
	(pc) =	sbr.rel @p0 .LBB2_2-.Ltmp0, $4  }
0x2a: {  	s19 =	sadd.s32 $0x2800, s20;
	[sflag:s16] =	ssyncadd.s32 $0xFFFFE000  }
0x2b: {  	[spmem:s2] =	stream.indirect.scatter.add.f32 [tilespmem:s15], [sflag:$0x2], $0x40, s19, s14, $0xb8;
	[tilespmem:$0x10E00] =	vst v63  }
0x2c: {  	_ =	swait.ge [sflag:s12], $0x2000  }
0x2d: {  	s19 =	smov.u32 s21;
	[sflag:s12] =	ssyncset.done $0x0  }
0x2e: {  	s18 =	sshra.s32 s18, $0x2;
	[sflag:s12] =	ssyncadd.s32 $0xFFFFE000  }
0x2f: {  	[tilespmem:s15], [sflag:$0x1] =	stream.indirect.gather [hbm4b:s4+s14], $0x40, s18, s14, $0xb8;
	[tilespmem:$0x10E00] =	vst v63  }
0x30: {  	_ =	swait.ge [sflag:s16], $0x2000  }
0x31: {  	[sflag:s16] =	ssyncset.done $0x0  }
0x32: {  	s18 =	sadd.s32 $0x2800, s18;
	[sflag:s16] =	ssyncadd.s32 $0xFFFFE000  }
0x33: {  	[spmem:s2] =	stream.indirect.scatter.add.f32 [tilespmem:s15], [sflag:$0x2], $0x40, s18, s14, $0xb8;
	[tilespmem:$0x10E00] =	vst v63  }
0x34: {  	_ =	swait.ge [sflag:s12], $0x2000  }
0x35: {  	s17 =	sadd.s32 $0x1, s17;
	[sflag:s12] =	ssyncset.done $0x0  }
0x36: {  	p0 =	sne.s32 s17, s8;
	[sflag:s12] =	ssyncadd.s32 $0xFFFFE000  }
.Ltmp1:
0x37: {  	[bflag:$0x0] =	sbarrier.arrive $0xFFFF;
	(pc) =	sbr.rel @p0 .LBB2_1-.Ltmp1, $4  }
0x38: {  	[hbm:s7], [sflag:s10] =	dma.local [spmem:s11], $0x13C0  }
0x39: {  	_ =	swait.ge [sflag:s12], $0x13C0  }
0x3a: {  	[sflag:s12] =	ssyncset.done $0x0  }
0x3b: {  	[sflag:s12] =	ssyncadd.s32 $0xFFFFEC40  }
0x3c: {  	_ =	sfence.sel $0x180000  }
0x3d: {  	[bflag:$0x0] =	sbarrier.arrive $0xFFFF  }
0x3e: {  	p0 =	sne.s32 s1, $0x0;
	_ =	strace $0x9000004D  }
0x3f: {  	s0 =	sadd.s32 @!p0 $0x100000, s0;
	[bflag:$0x2] =	sbarrier.arrive $0xFFFF  }
0x40: {  	[sflag:s0] =	ssyncadd.tile.s32 @!p0 $0x1;
	_ =	shalt  }
.Lfunc_end2:
_tile_overlayer_lowered:
.L_overlay_start_2:
0x41: {  	(tag) =	ssettag $0x2  }
0x42: {  	s0 =	rddreg [dreg:$0x0];
	s2 =	stileid.u32  }
0x43: {  	s1 =	rddreg [dreg:$0x1];
	p0 =	sne.s32 s2, $0x0  }
0x44: {  	s3 =	rddreg [dreg:$0x2];
	[bflag:$0x3] =	sbarrier.arrive $0xFFFF;
	s2 =	simm.s32 @!p0 $0x1C02  }
0x45: {  	[timem:s3], [sflag:s2] =	dma.local @!p0 [hbm:s0], s1  }
0x46: {  	s0 =	simm.s32 @!p0 $0x2  }
0x47: {  	_ =	swait.ge @!p0 [sflag:s0], s1  }
0x48: {  	s1 =	ssub.s32 @!p0 $0x0, s1;
	[sflag:s0] =	ssyncset.done @!p0 $0x0  }
0x49: {  	[sflag:s0] =	ssyncadd.s32 @!p0 s1  }
0x4a: {  	[bflag:$0x3] =	sbarrier.arrive $0xFFFF  }
0x4b: {  	_ =	shalt  }

// kernel: kernel.8.cloned.1.call-start
scs
__scs_entry_jumppad:
0x0: {  	(pc) =	sbr.rel $0x88, $3  }
0x1: {  	(tag) =	ssettag $0x0;
	lr =	simm.s32 $0x1  }
0x2: {  	[smem:$0x3F94] =	sst lr;
	_ =	strace $0xD0000000  }
0x3: {  	_ = 	snop  }
0x4: {  	_ = 	snop  }
0x5: {  	_ = 	snop  }
0x6: {  	_ = 	snop  }
0x7: {  	_ = 	snop  }
__scs_overlays_trampoline_lowered:
0x8: {  	[smem:$0x3FA3] =	sst s0  }
0x9: {  	[smem:$0x3FA4] =	sst s1  }
0xa: {  	[smem:$0x3FA5] =	sst s2  }
0xb: {  	[smem:$0x3FA6] =	sst s3  }
0xc: {  	[smem:$0x3FA7] =	sst s4  }
0xd: {  	[smem:$0x3FA8] =	sst s5  }
0xe: {  	[smem:$0x3FA9] =	sst s6  }
0xf: {  	[smem:$0x3FAA] =	sst s7  }
0x10: {  	[smem:$0x3FAB] =	sst s8  }
0x11: {  	[smem:$0x3FAC] =	sst s9;
	s0 =	simm.s32 @!p0 $0x0  }
0x12: {  	s1 =	sld [smem:$0x3F92];
	s0 =	simm.s32 @p0 $0x1  }
0x13: {  	[smem:$0x3FAD] =	sst s0;
	s0 =	simm.s32 @!p1 $0x0  }
0x14: {  	s2 =	sld [smem:$0x3F91];
	s0 =	simm.s32 @p1 $0x1  }
0x15: {  	[smem:$0x3FAE] =	sst s0;
	s0 =	simm.s32 @!p2 $0x0  }
0x16: {  	s3 =	sld [smem:$0x3FDB];
	s0 =	simm.s32 @p2 $0x1  }
0x17: {  	s4 =	simm.s32 $0x1BF5;
	[smem:$0x3FB0] =	sst s0  }
0x18: {  	s0 =	sld [smem:$0x3F93];
	_ =	swait.ge [sflag:s4], $0x0  }
0x19: {  	s7 =	sld [smem:$0x3F94]  }
0x1a: {  	s8 =	sadd.s32 $0xFFFFE003, lr  }
0x1b: {  	s9 =	sadd.s32 $0xFFFFFEF7, lr;
	s5 =	simm.s32 $0xFFFFFFFF;
	p2 =	slt.u32 s8, $0xFFFFF086  }
0x1c: {  	p1 =	slt.u32 s9, $0xF7A;
	s5 =	simm.s32 @!p2 $0x0  }
0x1d: {  	s5 =	simm.s32 @p1 $0x1;
	p0 =	seq.s32 s7, s2  }
0x1e: {  	s7 =	smul.u32 @!p0 $0xF7A, s2;
	p2 =	seq.s32 @!p0 s5, $0x0  }
0x1f: {  	s9 =	smul.u32 $0xF7A, s1;
	s8 =	simm.s32 @!p0 $0x1BF5;
	p2 =	por !p2, p0  }
0x20: {  	[sflag:s8] =	ssyncset.s32 @!p0 $0xFFFFF086;
	s6 =	sadd.s32 @!p0 s3, s7;
	s7 =	simm.s32 @!p0 $0x108  }
0x21: {  	s3 =	sadd.s32 s3, s9;
	s6 =	sadd.s32 @!p0 $0x88, s6;
	s7 =	simm.s32 @p2 $0x1082  }
0x22: {  	[simem:s7], [sflag:s8] =	dma.local @!p0 [hbm:s6], $0xF7A  }
0x23: {  	s9 =	sor.u32 $0xD0000000, s2;
	s6 =	simm.s32 $0x108;
	_ =	swait.ge @!p0 [sflag:s8], $0x0  }
0x24: {  	s3 =	sadd.s32 $0x88, s3;
	s6 =	simm.s32 @!p1 $0x1082;
	[sflag:s4] =	ssyncset.s32 $0xFFFFF086  }
0x25: {  	[simem:s6], [sflag:s4] =	dma.local [hbm:s3], $0xF7A  }
0x26: {  	[smem:$0x3F94] =	sst s1;
	(tag) =	ssettag s2;
	_ =	strace s9  }
0x27: {  	s1 =	sld [smem:$0x3FA4]  }
0x28: {  	s2 =	sld [smem:$0x3FA5]  }
0x29: {  	s4 =	sld [smem:$0x3FA7]  }
0x2a: {  	p0 =	seq.s32 s5, $0x0;
	s5 =	sld [smem:$0x3FA8]  }
0x2b: {  	s6 =	sld [smem:$0x3FA9]  }
0x2c: {  	s7 =	sld [smem:$0x3FAA]  }
0x2d: {  	s3 =	simm.s32 $0x108;
	s8 =	sld [smem:$0x3FAB]  }
0x2e: {  	s3 =	simm.s32 @!p0 $0x1082;
	s9 =	sld [smem:$0x3FAC]  }
0x2f: {  	lr =	sadd.s32 s0, s3;
	s0 =	sld [smem:$0x3FA3]  }
0x30: {  	s3 =	sld [smem:$0x3FA6]  }
0x31: {  	[smem:$0x3FAF] =	sst s10  }
0x32: {  	s10 =	sld [smem:$0x3FAD];
	_ =	sdelay $0x3  }
0x33: {  	p0 =	seq.s32 s10, $0x1;
	s10 =	sld [smem:$0x3FAF];
	_ =	sdelay $0x3  }
0x34: {  	[smem:$0x3FAF] =	sst s10  }
0x35: {  	s10 =	sld [smem:$0x3FAE];
	_ =	sdelay $0x3  }
0x36: {  	p1 =	seq.s32 s10, $0x1;
	s10 =	sld [smem:$0x3FAF];
	_ =	sdelay $0x3  }
0x37: {  	[smem:$0x3FAF] =	sst s10  }
0x38: {  	s10 =	sld [smem:$0x3FB0]  }
0x39: {  	_ = 	snop;
	(pc) =	sbr.ind lr, $3  }
0x3a: {  	_ = 	snop  }
0x3b: {  	_ = 	snop  }
0x3c: {  	p2 =	seq.s32 s10, $0x1;
	s10 =	sld [smem:$0x3FAF]  }
0x3d: {  	_ =	shalt  }
0x3e: {  	_ =	shalt  }
0x3f: {  	_ =	shalt  }
0x40: {  	_ =	shalt  }
0x41: {  	_ =	shalt  }
0x42: {  	_ =	shalt  }
0x43: {  	_ =	shalt  }
0x44: {  	_ =	shalt  }
0x45: {  	_ =	shalt  }
0x46: {  	_ =	shalt  }
0x47: {  	_ =	shalt  }
0x48: {  	_ =	shalt  }
0x49: {  	_ =	shalt  }
0x4a: {  	_ =	shalt  }
0x4b: {  	_ =	shalt  }
0x4c: {  	_ =	shalt  }
0x4d: {  	_ =	shalt  }
0x4e: {  	_ =	shalt  }
0x4f: {  	_ =	shalt  }
0x50: {  	_ =	shalt  }
0x51: {  	_ =	shalt  }
0x52: {  	_ =	shalt  }
0x53: {  	_ =	shalt  }
0x54: {  	_ =	shalt  }
0x55: {  	_ =	shalt  }
0x56: {  	_ =	shalt  }
0x57: {  	_ =	shalt  }
0x58: {  	_ =	shalt  }
0x59: {  	_ =	shalt  }
0x5a: {  	_ =	shalt  }
0x5b: {  	_ =	shalt  }
0x5c: {  	_ =	shalt  }
0x5d: {  	_ =	shalt  }
0x5e: {  	_ =	shalt  }
0x5f: {  	_ =	shalt  }
0x60: {  	_ =	shalt  }
0x61: {  	_ =	shalt  }
0x62: {  	_ =	shalt  }
0x63: {  	_ =	shalt  }
0x64: {  	_ =	shalt  }
0x65: {  	_ =	shalt  }
0x66: {  	_ =	shalt  }
0x67: {  	_ =	shalt  }
0x68: {  	_ =	shalt  }
0x69: {  	_ =	shalt  }
0x6a: {  	_ =	shalt  }
0x6b: {  	_ =	shalt  }
0x6c: {  	_ =	shalt  }
0x6d: {  	_ =	shalt  }
0x6e: {  	_ =	shalt  }
0x6f: {  	_ =	shalt  }
0x70: {  	_ =	shalt  }
0x71: {  	_ =	shalt  }
0x72: {  	_ =	shalt  }
0x73: {  	_ =	shalt  }
0x74: {  	_ =	shalt  }
0x75: {  	_ =	shalt  }
0x76: {  	_ =	shalt  }
0x77: {  	_ =	shalt  }
0x78: {  	_ =	shalt  }
0x79: {  	_ =	shalt  }
0x7a: {  	_ =	shalt  }
0x7b: {  	_ =	shalt  }
0x7c: {  	_ =	shalt  }
0x7d: {  	_ =	shalt  }
0x7e: {  	_ =	shalt  }
0x7f: {  	_ =	shalt  }
0x80: {  	_ =	shalt  }
0x81: {  	_ =	shalt  }
0x82: {  	_ =	shalt  }
0x83: {  	_ =	shalt  }
0x84: {  	_ =	shalt  }
0x85: {  	_ =	shalt  }
0x86: {  	_ =	shalt  }
0x87: {  	_ =	shalt  }
.Lfunc_end0:
.L_simem_size_0:
called_computation_lowered:
.L_overlay_start_0:
0x88: {  	s2 =	sld [smem:$0x3FD9]  }
0x89: {  	s3 =	sld [smem:$0x3FFE];
	_ =	sdelay $0x1  }
0x8a: {  	s1 =	srdreg.scid  }
0x8b: {  	s0 =	sand.u32 $0x1, s1  }
0x8c: {  	s16 =	sshll.u32 s0, $0xA;
	s2 =	sadd.s32 s3, s2  }
0x8d: {  	s2 =	sadd.s32 s2, s16  }
0x8e: {  	[smem:$0x3FBB] =	sst s2  }
0x8f: {  	_ = 	snop  }
0x90: {  	(tm) =	ssettm $0x1  }
0x91: {  	s17 =	sld [smem:$0x3FFB];
	_ =	sdelay $0x3  }
0x92: {  	_ =	strace s17  }
0x93: {  	s2 =	sld [smem:$0x3FFC];
	_ =	sdelay $0x3  }
0x94: {  	_ =	strace s2  }
0x95: {  	s2 =	sld [smem:$0x3FFD];
	_ =	sdelay $0x3  }
0x96: {  	_ =	strace s2  }
0x97: {  	_ =	strace $0x8FFFFFFF  }
0x98: {  	s18 =	sld [smem:$0x3FDB];
	_ =	sdelay $0x1  }
0x99: {  	s19 =	simm.s32 $_scs_section_size  }
0x9a: {  	s4 =	simm.s32 $_size__tile_overlayer_lowered;
	s5 =	simm.s32 $_tile_overlayer_lowered  }
0x9b: {  	s22 =	simm.s32 $0x1BFF;
	s21 =	sshll.u32 s5, $0x1;
	s2 =	sadd.s32 s19, s18  }
0x9c: {  	s6 =	simm.s32 $0x0;
	s20 =	sshll.u32 s4, $0x1;
	s4 =	sadd.s32 s21, s2  }
0x9d: {  	[timem:s6], [sflag:s22] =	dma.local [hbm:s4], s20  }
0x9e: {  	_ =	swait.ge [sflag:s22], s20  }
0x9f: {  	s3 =	ssub.s32 $0x0, s20;
	[sflag:s22] =	ssyncset.done $0x0  }
0xa0: {  	[sflag:s22] =	ssyncadd.s32 s3;
	_ =	sdelay $0x1  }
0xa1: {  	s23 =	simm.s32 $0x1B8B  }
0xa2: {  	_ =	swait.ge [sflag:s23], $0x1  }
0xa3: {  	[sflag:s23] =	ssyncset.done $0x0  }
0xa4: {  	s25 =	simm.s32 $0x1B8E;
	s24 =	sld [smem:$0x3FFE];
	[sflag:s23] =	ssyncadd.s32 $0xFFFFFFFF  }
0xa5: {  	s26 =	simm.s32 $execute0_lowered;
	[smem:$0x3FD2] =	sst s25  }
0xa6: {  	s4 =	sshll.u32 s26, $0x1;
	_ =	strace $0x80000046;
	[dreg:$0x1] =	wrdreg $0xFFFFFFFF  }
0xa7: {  	s28 =	simm.s32 $_size_execute0_lowered;
	s2 =	sadd.s32 s2, s4;
	[dreg:$0x0] =	wrdreg $0x0  }
0xa8: {  	s4 =	sshll.u32 s28, $0x1;
	[dreg:$0x2] =	wrdreg s2  }
0xa9: {  	[dreg:$0x3] =	wrdreg s4  }
0xaa: {  	[dreg:$0x4] =	wrdreg $0xC0  }
0xab: {  	_ =	task [dreg:s6], $0x5FFFF  }
0xac: {  	[dreg:$0x1] =	wrdreg $0xFFFFFFFF  }
0xad: {  	[dreg:$0x0] =	wrdreg $0x60  }
0xae: {  	[dreg:$0x2] =	wrdreg s24  }
0xaf: {  	[dreg:$0x3] =	wrdreg $0x30000  }
0xb0: {  	[dreg:$0x4] =	wrdreg $0x9  }
0xb1: {  	_ =	task.clear_ibuf [dreg:s6], $0x5FFFF;
	_ =	strace $0x90000046  }
0xb2: {  	s29 =	simm.s32 $0x9;
	_ =	strace $0x80000048  }
0xb3: {  	_ =	swait.ge [sflag:s29], $0x1  }
0xb4: {  	[sflag:s29] =	ssyncadd.s32 $0xFFFFFFFF  }
0xb5: {  	_ =	strace $0x90000048  }
0xb6: {  	_ =	sfence  }
0xb7: {  	s30 =	sld [smem:$0x0];
	_ =	sdelay $0x2  }
0xb8: {  	s31 =	sshll.u32 s1, $0xD;
	s1 =	sshrl.u32 s1, $0x2  }
0xb9: {  	s3 =	sand.u32 $0x4000, s31;
	s1 =	sadd.s32 s1, s30  }
0xba: {  	s0 =	sor.u32 s3, s0;
	s1 =	sshll.u32 s1, $0x11  }
0xbb: {  	s0 =	sor.u32 s1, s0  }
0xbc: {  	s0 =	sadd.s32 $0x8F2B, s0  }
0xbd: {  	[sflag:s0] =	ssyncadd.remote.s32 $0x1  }
0xbe: {  	_ =	sfence.sel $0xFFFF  }
0xbf: {  	[dreg:$0x0] =	wrdreg $0xFFFFFFFF;
	(pc) =	sbr.abs _section_cstart, $3  }
0xc0: {  	[dreg:$0x1] =	wrdreg $0xFFFFFFFF  }
0xc1: {  	_ =	task.clear_ibuf [dreg:s6], $0x2FFFF;
	_ =	strace $0x9FFFFFFF  }
0xc2: {  	(tm) =	ssettm $0x7FFFFFFF  }
0xc3: {  	_ =	shalt  }
tec
execute0_lowered:
.L_overlay_start_1:
0x0: {  	(tag) =	ssettag $0x1  }
0x1: {  	s5 =	rddreg [dreg:$0x0]  }
0x2: {  	s2 =	rddreg [dreg:$0x1]  }
0x3: {  	s0 =	rddreg [dreg:$0x2]  }
0x4: {  	s3 =	simm.s32 $0x0;
	s1 =	stileid.u32;
	s4 =	srdreg.scid  }
0x5: {  	s13 =	simm.s32 $0x80;
	s14 =	simm.s32 $0x0;
	[smem:$0x7FF] =	sst s3  }
0x6: {  	s6 =	smul.u32 $0x2780, s1;
	s7 =	sand.u32 $0x1, s4;
	s4 =	sadd.s32 $0x11A00, s5  }
0x7: {  	s31 =	sshll.u32 s1, $0x6;
	_ =	strace $0x80000047;
	s8 =	sshll.u32 s7, $0x4  }
0x8: {  	s9 =	smul.u32 $0x27800, s7;
	s7 =	ssub.s32 $0x2, s7;
	s10 =	sshrl.u32 s6, $0x3  }
0x9: {  	s8 =	sor.u32 s1, s8;
	s11 =	sshrl.u32 s7, $0x1;
	s12 =	sadd.s32 s6, s2  }
0xa: {  	s8 =	smul.u32 $0x500, s8;
	s9 =	sadd.s32 s6, s9;
	s10 =	sadd.s32 s10, s5  }
0xb: {  	s11 =	ssub.s32 s7, s11;
	s6 =	sor.u32 $0x1C01, s31;
	s9 =	sshrl.u32 s9, $0x3  }
0xc: {  	s8 =	sadd.s32 s8, s5;
	s9 =	sadd.s32 s9, s5;
	s5 =	sadd.s32 $0xCA00, s10  }
0xd: {  	s10 =	sshrl.u32 s12, $0x3;
	s12 =	simm.s32 $0x800;
	s7 =	sadd.s32 $0x2A00, s8  }
0xe: {  	s8 =	sadd.s32 $0x11C00, s9;
	s9 =	smax.u32 s11, $0x1;
	s11 =	simm.s32 $0x1  }
.LBB2_1:
0xf: {  	[spmem:s10], [sflag:s6] =	dma.local [hbm:s5], $0x4F0  }
0x10: {  	_ =	swait.ge [sflag:s11], $0x4F0  }
0x11: {  	[sflag:s11] =	ssyncset.done $0x0  }
0x12: {  	[sflag:s11] =	ssyncadd.s32 $0xFFFFFB10  }
0x13: {  	[tilespmem:s3], [sflag:$0x1] =	stream.linear.gather [hbm4b:s4+s3], $0x800, $0x38;
	[tilespmem:$0x5780] =	vst v63  }
0x14: {  	_ =	swait.ge [sflag:s11], $0x800  }
0x15: {  	[sflag:s11] =	ssyncset.done $0x0  }
0x16: {  	[sflag:s11] =	ssyncadd.s32 $0xFFFFF800  }
0x17: {  	[tilespmem:s12], [sflag:$0x1] =	stream.linear.gather [hbm4b:s7+s3], $0x2800, $0x38;
	[tilespmem:$0x5780] =	vst v63  }
0x18: {  	_ =	swait.ge [sflag:s11], $0x2800  }
0x19: {  	[sflag:s11] =	ssyncset.done $0x0  }
0x1a: {  	[sflag:s11] =	ssyncadd.s32 $0xFFFFD800  }
0x1b: {  	s15 =	simm.s32 $0x800;
	[bflag:$0x0] =	sbarrier.arrive $0xFFFF  }
0x1c: {  	[spmem:s2] =	stream.indirect.scatter.add.f32 [tilespmem:s3], [sflag:$0x1], $0x10, s15, s13, $0xb8;
	[tilespmem:$0x5780] =	vst v63  }
0x1d: {  	s15 =	simm.s32 $0x200;
	_ =	swait.ge [sflag:s11], $0x800  }
.LBB2_2:
0x1e: {  	s16 =	sshra.s32 s15, $0x2;
	[sflag:s11] =	ssyncset.done $0x0;
	p0 =	sne.s32 s15, $0x9E00  }
.Ltmp0:
0x1f: {  	s16 =	sadd.s32 $0x800, s16;
	[sflag:s11] =	ssyncadd.s32 $0xFFFFF800;
	(pc) =	sbr.rel @p0 .LBB2_2-.Ltmp0, $3  }
0x20: {  	[spmem:s2] =	stream.indirect.scatter.add.f32 [tilespmem:s3], [sflag:$0x1], $0x10, s16, s13, $0xb8;
	[tilespmem:$0x5780] =	vst v63  }
0x21: {  	s15 =	sadd.s32 $0x200, s15;
	_ =	sdelay $0x1  }
0x22: {  	_ =	swait.ge [sflag:s11], $0x800  }
0x23: {  	[sflag:s11] =	ssyncset.done $0x0;
	s14 =	sadd.s32 $0x1, s14  }
0x24: {  	[sflag:s11] =	ssyncadd.s32 $0xFFFFF800;
	p0 =	sne.s32 s14, s9  }
.Ltmp1:
0x25: {  	[bflag:$0x0] =	sbarrier.arrive $0xFFFF;
	(pc) =	sbr.rel @p0 .LBB2_1-.Ltmp1, $4  }
0x26: {  	[hbm:s8], [sflag:s6] =	dma.local [spmem:s10], $0x4F0  }
0x27: {  	_ =	swait.ge [sflag:s11], $0x4F0  }
0x28: {  	[sflag:s11] =	ssyncset.done $0x0  }
0x29: {  	[sflag:s11] =	ssyncadd.s32 $0xFFFFFB10  }
0x2a: {  	_ =	sfence.sel $0x180000  }
0x2b: {  	[bflag:$0x0] =	sbarrier.arrive $0xFFFF  }
0x2c: {  	p0 =	sne.s32 s1, $0x0;
	_ =	strace $0x90000047  }
0x2d: {  	s0 =	sadd.s32 @!p0 $0x100000, s0;
	[bflag:$0x2] =	sbarrier.arrive $0xFFFF  }
0x2e: {  	[sflag:s0] =	ssyncadd.tile.s32 @!p0 $0x1;
	_ =	shalt  }
.Lfunc_end2:
_tile_overlayer_lowered:
.L_overlay_start_2:
0x2f: {  	(tag) =	ssettag $0x2  }
0x30: {  	s0 =	rddreg [dreg:$0x0];
	s2 =	stileid.u32  }
0x31: {  	s1 =	rddreg [dreg:$0x1];
	p0 =	sne.s32 s2, $0x0  }
0x32: {  	s3 =	rddreg [dreg:$0x2];
	[bflag:$0x3] =	sbarrier.arrive $0xFFFF;
	s2 =	simm.s32 @!p0 $0x1C01  }
0x33: {  	[timem:s3], [sflag:s2] =	dma.local @!p0 [hbm:s0], s1  }
0x34: {  	s0 =	simm.s32 @!p0 $0x1  }
0x35: {  	_ =	swait.ge @!p0 [sflag:s0], s1  }
0x36: {  	s1 =	ssub.s32 @!p0 $0x0, s1;
	[sflag:s0] =	ssyncset.done @!p0 $0x0  }
0x37: {  	[sflag:s0] =	ssyncadd.s32 @!p0 s1  }
0x38: {  	[bflag:$0x3] =	sbarrier.arrive $0xFFFF  }
0x39: {  	_ =	shalt  }

</sc_bundles>
